<compile_context>
chip_gen: v7x
topology: tpu7x:2x2x1
jax: 0.10.2.dev20260603
libtpu: 0.0.44.dev20260713+nightly
codegen_flags: <defaults>
</compile_context>

<pallas_src>
import functools

import jax
import jax.numpy as jnp
from jax import lax
from jax.experimental import pallas as pl
from jax.experimental.pallas import tpu as pltpu
from jax.experimental.pallas import tpu_sc as plsc

N_NODES = 10000
D = 128
NC = 2
NS = 16
NW = NC * NS
CHUNK = 128
NCHUNK = 80
EPAD = NW * NCHUNK * CHUNK
NPAD = 10240
RPS = NPAD // NS

_sc_mesh = plsc.VectorSubcoreMesh(core_axis_name="c", subcore_axis_name="s")


@functools.partial(
    pl.kernel,
    mesh=_sc_mesh,
    out_type=jax.ShapeDtypeStruct((NC, NPAD, D), jnp.float32),
    scratch_types=[
        pltpu.VMEM((NCHUNK // 2, CHUNK), jnp.int32),
        pltpu.VMEM((NCHUNK // 2, CHUNK), jnp.int32),
        pltpu.VMEM((CHUNK, D), jnp.float32),
        pltpu.VMEM((CHUNK, D), jnp.float32),
        pltpu.VMEM_SHARED((NPAD, D), jnp.float32),
        pltpu.SemaphoreType.DMA,
        pltpu.SemaphoreType.DMA,
    ],
)
def _sc_aggr(h_hbm, gi_hbm, si_hbm, out_hbm, gi_v, si_v, rows_a, rows_b,
             aggr_sh, sem_a, sem_b):
    cid = lax.axis_index("c")
    sid = lax.axis_index("s")
    wid = cid * NS + sid

    @pl.loop(0, CHUNK)
    def _(i):
        @pl.loop(0, D, step=16)
        def _(j):
            rows_a[i, pl.ds(j, 16)] = jnp.zeros((16,), jnp.float32)

    @pl.loop(0, RPS // CHUNK)
    def _(k):
        pltpu.sync_copy(rows_a, aggr_sh.at[pl.ds(sid * RPS + k * CHUNK, CHUNK)])

    plsc.subcore_barrier()

    half = NCHUNK // 2

    @pl.loop(0, 2)
    def _(ph):
        pltpu.sync_copy(gi_hbm.at[wid, pl.ds(ph * half, half)], gi_v)
        pltpu.sync_copy(si_hbm.at[wid, pl.ds(ph * half, half)], si_v)

        pltpu.async_copy(h_hbm.at[gi_v.at[0]], rows_a, sem_a)

        @pl.loop(0, half, step=2)
        def _(j):
            pltpu.make_async_copy(h_hbm.at[gi_v.at[j]], rows_a, sem_a).wait()
            pltpu.async_copy(h_hbm.at[gi_v.at[j + 1]], rows_b, sem_b)
            pltpu.sync_copy(rows_a, aggr_sh.at[si_v.at[j]], add=True)

            pltpu.make_async_copy(h_hbm.at[gi_v.at[j + 1]], rows_b, sem_b).wait()

            @pl.when(j + 2 < half)
            def _():
                pltpu.async_copy(h_hbm.at[gi_v.at[j + 2]], rows_a, sem_a)

            pltpu.sync_copy(rows_b, aggr_sh.at[si_v.at[j + 1]], add=True)

    plsc.subcore_barrier()

    @pl.loop(0, RPS // CHUNK)
    def _(k):
        off = sid * RPS + k * CHUNK
        pltpu.sync_copy(aggr_sh.at[pl.ds(off, CHUNK)],
                        out_hbm.at[cid, pl.ds(off, CHUNK)])



_BLK = 1000
_GRID = N_NODES // _BLK


def _dense_body(h_ref, w_ref, b_ref, o_ref):
    o_ref[...] = (
        jnp.dot(h_ref[...], w_ref[...], preferred_element_type=jnp.float32)
        + b_ref[...]
    )


def _tc_dense(h, w, b):
    return pl.pallas_call(
        _dense_body,
        grid=(_GRID,),
        in_specs=[
            pl.BlockSpec((_BLK, D), lambda i: (i, 0)),
            pl.BlockSpec((D, D), lambda i: (0, 0)),
            pl.BlockSpec((1, D), lambda i: (0, 0)),
        ],
        out_specs=pl.BlockSpec((_BLK, D), lambda i: (i, 0)),
        out_shape=jax.ShapeDtypeStruct((N_NODES, D), jnp.float32),
    )(h, w, b)


def _fin_body(p_ref, d_ref, w_ref, o_ref):
    a = p_ref[0] + p_ref[1]
    o_ref[...] = jnp.maximum(
        jnp.dot(a, w_ref[...], preferred_element_type=jnp.float32) + d_ref[...],
        0.0,
    )


def _tc_fin(p, d, wlT):
    return pl.pallas_call(
        _fin_body,
        grid=(_GRID,),
        in_specs=[
            pl.BlockSpec((NC, _BLK, D), lambda i: (0, i, 0)),
            pl.BlockSpec((_BLK, D), lambda i: (i, 0)),
            pl.BlockSpec((D, D), lambda i: (0, 0)),
        ],
        out_specs=pl.BlockSpec((_BLK, D), lambda i: (i, 0)),
        out_shape=jax.ShapeDtypeStruct((N_NODES, D), jnp.float32),
    )(p, d, wlT)


def _fin_out_body(p_ref, d_ref, w_ref, wo_ref, bo_ref, o_ref):
    a = p_ref[0] + p_ref[1]
    h2 = jnp.maximum(
        jnp.dot(a, w_ref[...], preferred_element_type=jnp.float32) + d_ref[...],
        0.0,
    )
    o_ref[...] = (
        jnp.dot(h2, wo_ref[...], preferred_element_type=jnp.float32)
        + bo_ref[...]
    )


def _tc_fin_out(p, d, wlT, woT, bo):
    return pl.pallas_call(
        _fin_out_body,
        grid=(_GRID,),
        in_specs=[
            pl.BlockSpec((NC, _BLK, D), lambda i: (0, i, 0)),
            pl.BlockSpec((_BLK, D), lambda i: (i, 0)),
            pl.BlockSpec((D, D), lambda i: (0, 0)),
            pl.BlockSpec((D, D), lambda i: (0, 0)),
            pl.BlockSpec((1, D), lambda i: (0, 0)),
        ],
        out_specs=pl.BlockSpec((_BLK, D), lambda i: (i, 0)),
        out_shape=jax.ShapeDtypeStruct((N_NODES, D), jnp.float32),
    )(p, d, wlT, woT, bo)


def kernel(x, edge_index, w0_0, bw0_0, wl_0, bwl_0, w1_0, bw1_0,
           w0_1, bw0_1, wl_1, bwl_1, w1_1, bw1_1, w_out, b_out):
    e = edge_index.shape[1]
    pad = EPAD - e
    gi = jnp.concatenate(
        [edge_index[1], jnp.zeros((pad,), jnp.int32)]).reshape(NW, NCHUNK, CHUNK)
    si = jnp.concatenate(
        [edge_index[0], jnp.full((pad,), N_NODES, jnp.int32)]).reshape(NW, NCHUNK, CHUNK)

    wx1 = (w0_1 + w1_1).T
    b1 = (bw0_1 + bwl_1 + bw1_1).reshape(1, D)
    wx0 = (w0_0 + w1_0).T
    b0 = (bw0_0 + bwl_0 + bw1_0).reshape(1, D)

    d1 = _tc_dense(x, wx1, b1)
    p1 = _sc_aggr(x, gi, si)
    h1 = _tc_fin(p1, d1, wl_1.T)

    d2 = _tc_dense(h1, wx0, b0)
    p2 = _sc_aggr(h1, gi, si)
    return _tc_fin_out(p2, d2, wl_0.T, w_out.T, b_out.reshape(1, D))

# --- scband reference (transcript-rebuilt; emitter-appended) ---
"""Pipeline reference for scband-meta-path-gnn-40535901339973 (READ-ONLY COPY).

The authoritative reference and input builder live on the scoring server;
editing this copy changes nothing except your own understanding.
"""

import jax, jax.numpy as jnp
import numpy as np

N = 10000
E = 320000
D = 128
DOUT = 128


def setup_inputs(seed: int = 0) -> dict:
    key = jax.random.key(seed)
    ks = jax.random.split(key, 32)
    inp = {}
    inp["x"] = jax.random.normal(ks[0], (N, D), dtype=jnp.float32)
    inp["edge_index"] = jax.random.randint(ks[1], (2, E), 0, N, dtype=jnp.int32)
    scale = 1.0 / np.sqrt(D)
    ki = 2
    for l in range(2):
        for name in ["w0", "wl", "w1"]:
            inp[f"{name}_{l}"] = jax.random.uniform(ks[ki], (D, D), minval=-scale, maxval=scale, dtype=jnp.float32); ki += 1
            inp[f"b{name}_{l}"] = jax.random.uniform(ks[ki], (D,), minval=-scale, maxval=scale, dtype=jnp.float32); ki += 1
    inp["w_out"] = jax.random.uniform(ks[ki], (DOUT, D), minval=-scale, maxval=scale, dtype=jnp.float32); ki += 1
    inp["b_out"] = jax.random.uniform(ks[ki], (DOUT,), minval=-scale, maxval=scale, dtype=jnp.float32)
    return inp


def _layer(h, ei, w0, b0, wl, bl, w1, b1):
    # MessagePassing(aggr='add', flow='target_to_source'):
    # messages are x_j = h[edge_index[1]], aggregated (sum) at edge_index[0]
    msgs = jnp.take(h, ei[1], axis=0)
    aggr = jax.ops.segment_sum(msgs, ei[0], num_segments=h.shape[0])
    # forward called with x=h, h=h, so w_0 and w_1 both act on h
    return aggr @ wl.T + bl + h @ w0.T + b0 + h @ w1.T + b1


def reference(x, edge_index, w0_0, bw0_0, wl_0, bwl_0, w1_0, bw1_0, w0_1, bw0_1, wl_1, bwl_1, w1_1, bw1_1, w_out, b_out):
    # metapath = [(node,to,node), (node,to,node)]; single node type so
    # x_dict/edge_index_dict collapse to x / edge_index.
    h = x
    # reversed(metapath): first iteration uses conv_idx=1, second uses conv_idx=0
    h = jax.nn.relu(_layer(h, edge_index, w0_1, bw0_1, wl_1, bwl_1, w1_1, bw1_1))
    h = jax.nn.relu(_layer(h, edge_index, w0_0, bw0_0, wl_0, bwl_0, w1_0, bw1_0))
    return h @ w_out.T + b_out

if __name__ == "__main__":
    import jax
    _d = setup_inputs()
    print(jax.jit(kernel)(*tuple(_d.values())))

</pallas_src>

<mosaic_0001>
#map = affine_map<(d0, d1) -> (0, 0)>
#map1 = affine_map<(d0, d1) -> (0, 0, 0)>
module attributes {stable_mosaic.version = 14 : i64} {
  func.func @_sc_aggr(%arg0: i32, %arg1: i32, %arg2: memref<10000x128xf32, #tpu.memory_space<hbm>>, %arg3: memref<32x80x128xi32, #tpu.memory_space<hbm>>, %arg4: memref<32x80x128xi32, #tpu.memory_space<hbm>>, %arg5: memref<2x10240x128xf32, #tpu.memory_space<hbm>>, %arg6: memref<40x128xi32, #tpu.memory_space<vmem>>, %arg7: memref<40x128xi32, #tpu.memory_space<vmem>>, %arg8: memref<128x128xf32, #tpu.memory_space<vmem>>, %arg9: memref<128x128xf32, #tpu.memory_space<vmem>>, %arg10: memref<10240x128xf32, #tpu.memory_space<vmem_shared>>, %arg11: memref<!tpu.dma_semaphore, #tpu.memory_space<semaphore_mem>>, %arg12: memref<!tpu.dma_semaphore, #tpu.memory_space<semaphore_mem>>) attributes {dimension_semantics = [#tpu.dimension_semantics<core_parallel>, #tpu.dimension_semantics<subcore_parallel>], iteration_bounds = array<i64: 2, 16>, scalar_prefetch = 0 : i64, scratch_operands = 7 : i64, tpu.core_type = #tpu.core_type<sc_vector_subcore>, window_params = [{transform_indices = #map}, {transform_indices = #map1}, {transform_indices = #map1}, {transform_indices = #map1}]} {
    %mul3A = arith.constant 16 : i32
    %mul3A_0 = arith.muli %arg0, %mul3A : i32
    %add3A = arith.addi %mul3A_0, %arg1 : i32
    %scan3A = arith.constant 0 : i32
    %scan3A_1 = arith.constant 128 : i32
    %scan3A_2 = arith.addi %scan3A, %scan3A_1 : i32
    %scan3A_3 = arith.constant 1 : i32
    scf.for %scan3A_21 = %scan3A to %scan3A_2 step %scan3A_3  : i32 {
      %mul3A_22 = arith.constant 1 : i32
      %mul3A_23 = arith.muli %scan3A_21, %mul3A_22 : i32
      %add3A_24 = arith.constant 0 : i32
      %add3A_25 = arith.addi %add3A_24, %mul3A_23 : i32
      %scan3A_26 = arith.constant 0 : i32
      %scan3A_27 = arith.constant 8 : i32
      %scan3A_28 = arith.addi %scan3A_26, %scan3A_27 : i32
      %scan3A_29 = arith.constant 1 : i32
      scf.for %scan3A_31 = %scan3A_26 to %scan3A_28 step %scan3A_29  : i32 {
        %mul3A_32 = arith.constant 16 : i32
        %mul3A_33 = arith.muli %scan3A_31, %mul3A_32 : i32
        %add3A_34 = arith.constant 0 : i32
        %add3A_35 = arith.addi %add3A_34, %mul3A_33 : i32
        %broadcast_in_dim3A = arith.constant 0.000000e+00 : f32
        %broadcast_in_dim3A_36 = vector.broadcast %broadcast_in_dim3A : f32 to vector<16xf32>
        %swap3A = arith.index_cast %add3A_25 : i32 to index
        %swap3A_37 = arith.index_cast %add3A_35 : i32 to index
        %swap3A_38 = tpu.vector_load %arg8[%swap3A, %swap3A_37] {strides = array<i32>} : memref<128x128xf32, #tpu.memory_space<vmem>>, vector<1x16xf32>,
        %swap3A_39 = vector.shape_cast %swap3A_38 : vector<1x16xf32> to vector<16xf32>
        %swap3A_40 = vector.shape_cast %broadcast_in_dim3A_36 : vector<16xf32> to vector<1x16xf32>
        tpu.vector_store %arg8[%swap3A, %swap3A_37], %swap3A_40 {strides = array<i32>} : memref<128x128xf32, #tpu.memory_space<vmem>>, vector<1x16xf32>,
      }
      %scan3A_30 = arith.constant 8 : i32
    }
    %scan3A_4 = arith.constant 128 : i32
    %scan3A_5 = arith.constant 0 : i32
    %scan3A_6 = arith.constant 5 : i32
    %scan3A_7 = arith.addi %scan3A_5, %scan3A_6 : i32
    %scan3A_8 = arith.constant 1 : i32
    scf.for %scan3A_21 = %scan3A_5 to %scan3A_7 step %scan3A_8  : i32 {
      %mul3A_22 = arith.constant 1 : i32
      %mul3A_23 = arith.muli %scan3A_21, %mul3A_22 : i32
      %add3A_24 = arith.constant 0 : i32
      %add3A_25 = arith.addi %add3A_24, %mul3A_23 : i32
      %mul3A_26 = arith.constant 640 : i32
      %mul3A_27 = arith.muli %arg1, %mul3A_26 : i32
      %mul3A_28 = arith.constant 128 : i32
      %mul3A_29 = arith.muli %add3A_25, %mul3A_28 : i32
      %add3A_30 = arith.addi %mul3A_27, %mul3A_29 : i32
      "tpu.region"() ({
        %run_scoped3A = tpu.sem_alloc : memref<!tpu.dma_semaphore, #tpu.memory_space<semaphore_mem>>
        %dma_start3A = arith.constant 0 : i32
        %dma_start3A_31 = tpu.memref_slice %arg10[%add3A_30, %dma_start3A] : memref<10240x128xf32, #tpu.memory_space<vmem_shared>> -> memref<128x128xf32, #tpu.memory_space<vmem_shared>>
        %dma_start3A_32 = arith.constant 0 : i32
        %dma_start3A_33 = tpu.memref_slice %arg10[%add3A_30, %dma_start3A_32] : memref<10240x128xf32, #tpu.memory_space<vmem_shared>> -> memref<128x128xf32, #tpu.memory_space<vmem_shared>>
        tpu.enqueue_dma source(%arg8 : memref<128x128xf32, #tpu.memory_space<vmem>>) target(%dma_start3A_33 : memref<128x128xf32, #tpu.memory_space<vmem_shared>>) target_semaphore(%run_scoped3A : memref<!tpu.dma_semaphore, #tpu.memory_space<semaphore_mem>>)
        %dma_wait3A = arith.constant 0 : i32
        %dma_wait3A_34 = tpu.memref_slice %arg10[%add3A_30, %dma_wait3A] : memref<10240x128xf32, #tpu.memory_space<vmem_shared>> -> memref<128x128xf32, #tpu.memory_space<vmem_shared>>
        %dma_wait3A_35 = arith.constant 0 : i32
        %dma_wait3A_36 = tpu.memref_slice %arg10[%add3A_30, %dma_wait3A_35] : memref<10240x128xf32, #tpu.memory_space<vmem_shared>> -> memref<128x128xf32, #tpu.memory_space<vmem_shared>>
        tpu.wait_dma2 semaphore(%run_scoped3A : memref<!tpu.dma_semaphore, #tpu.memory_space<semaphore_mem>>) src(%arg8 : memref<128x128xf32, #tpu.memory_space<vmem>>) dst(%dma_wait3A_36 : memref<128x128xf32, #tpu.memory_space<vmem_shared>>)
        tpu.yield
      }) : () -> ()
    }
    %scan3A_9 = arith.constant 5 : i32
    %barrier3A = arith.constant 0 : index
    tpu.barrier barrier_id(%barrier3A)
    %scan3A_10 = arith.constant 0 : i32
    %scan3A_11 = arith.constant 2 : i32
    %scan3A_12 = arith.addi %scan3A_10, %scan3A_11 : i32
    %scan3A_13 = arith.constant 1 : i32
    scf.for %scan3A_21 = %scan3A_10 to %scan3A_12 step %scan3A_13  : i32 {
      %mul3A_22 = arith.constant 1 : i32
      %mul3A_23 = arith.muli %scan3A_21, %mul3A_22 : i32
      %add3A_24 = arith.constant 0 : i32
      %add3A_25 = arith.addi %add3A_24, %mul3A_23 : i32
      %mul3A_26 = arith.constant 40 : i32
      %mul3A_27 = arith.muli %add3A_25, %mul3A_26 : i32
      "tpu.region"() ({
        %run_scoped3A = tpu.sem_alloc : memref<!tpu.dma_semaphore, #tpu.memory_space<semaphore_mem>>
        %dma_start3A_41 = arith.constant 0 : i32
        %dma_start3A_42 = tpu.memref_slice %arg3[%add3A, %mul3A_27, %dma_start3A_41] : memref<32x80x128xi32, #tpu.memory_space<hbm>> -> memref<1x40x128xi32, #tpu.memory_space<hbm>>
        %dma_start3A_43 = tpu.memref_squeeze %dma_start3A_42 : memref<1x40x128xi32, #tpu.memory_space<hbm>> -> memref<40x128xi32, #tpu.memory_space<hbm>>
        %dma_start3A_44 = arith.constant 0 : i32
        %dma_start3A_45 = tpu.memref_slice %arg3[%add3A, %mul3A_27, %dma_start3A_44] : memref<32x80x128xi32, #tpu.memory_space<hbm>> -> memref<1x40x128xi32, #tpu.memory_space<hbm>>
        %dma_start3A_46 = tpu.memref_squeeze %dma_start3A_45 : memref<1x40x128xi32, #tpu.memory_space<hbm>> -> memref<40x128xi32, #tpu.memory_space<hbm>>
        tpu.enqueue_dma source(%dma_start3A_46 : memref<40x128xi32, #tpu.memory_space<hbm>>) target(%arg6 : memref<40x128xi32, #tpu.memory_space<vmem>>) target_semaphore(%run_scoped3A : memref<!tpu.dma_semaphore, #tpu.memory_space<semaphore_mem>>)
        %dma_wait3A = arith.constant 0 : i32
        %dma_wait3A_47 = tpu.memref_slice %arg3[%add3A, %mul3A_27, %dma_wait3A] : memref<32x80x128xi32, #tpu.memory_space<hbm>> -> memref<1x40x128xi32, #tpu.memory_space<hbm>>
        %dma_wait3A_48 = tpu.memref_squeeze %dma_wait3A_47 : memref<1x40x128xi32, #tpu.memory_space<hbm>> -> memref<40x128xi32, #tpu.memory_space<hbm>>
        %dma_wait3A_49 = arith.constant 0 : i32
        %dma_wait3A_50 = tpu.memref_slice %arg3[%add3A, %mul3A_27, %dma_wait3A_49] : memref<32x80x128xi32, #tpu.memory_space<hbm>> -> memref<1x40x128xi32, #tpu.memory_space<hbm>>
        %dma_wait3A_51 = tpu.memref_squeeze %dma_wait3A_50 : memref<1x40x128xi32, #tpu.memory_space<hbm>> -> memref<40x128xi32, #tpu.memory_space<hbm>>
        tpu.wait_dma2 semaphore(%run_scoped3A : memref<!tpu.dma_semaphore, #tpu.memory_space<semaphore_mem>>) src(%dma_wait3A_51 : memref<40x128xi32, #tpu.memory_space<hbm>>) dst(%arg6 : memref<40x128xi32, #tpu.memory_space<vmem>>)
        tpu.yield
      }) : () -> ()
      %mul3A_28 = arith.constant 40 : i32
      %mul3A_29 = arith.muli %add3A_25, %mul3A_28 : i32
      "tpu.region"() ({
        %run_scoped3A = tpu.sem_alloc : memref<!tpu.dma_semaphore, #tpu.memory_space<semaphore_mem>>
        %dma_start3A_41 = arith.constant 0 : i32
        %dma_start3A_42 = tpu.memref_slice %arg4[%add3A, %mul3A_29, %dma_start3A_41] : memref<32x80x128xi32, #tpu.memory_space<hbm>> -> memref<1x40x128xi32, #tpu.memory_space<hbm>>
        %dma_start3A_43 = tpu.memref_squeeze %dma_start3A_42 : memref<1x40x128xi32, #tpu.memory_space<hbm>> -> memref<40x128xi32, #tpu.memory_space<hbm>>
        %dma_start3A_44 = arith.constant 0 : i32
        %dma_start3A_45 = tpu.memref_slice %arg4[%add3A, %mul3A_29, %dma_start3A_44] : memref<32x80x128xi32, #tpu.memory_space<hbm>> -> memref<1x40x128xi32, #tpu.memory_space<hbm>>
        %dma_start3A_46 = tpu.memref_squeeze %dma_start3A_45 : memref<1x40x128xi32, #tpu.memory_space<hbm>> -> memref<40x128xi32, #tpu.memory_space<hbm>>
        tpu.enqueue_dma source(%dma_start3A_46 : memref<40x128xi32, #tpu.memory_space<hbm>>) target(%arg7 : memref<40x128xi32, #tpu.memory_space<vmem>>) target_semaphore(%run_scoped3A : memref<!tpu.dma_semaphore, #tpu.memory_space<semaphore_mem>>)
        %dma_wait3A = arith.constant 0 : i32
        %dma_wait3A_47 = tpu.memref_slice %arg4[%add3A, %mul3A_29, %dma_wait3A] : memref<32x80x128xi32, #tpu.memory_space<hbm>> -> memref<1x40x128xi32, #tpu.memory_space<hbm>>
        %dma_wait3A_48 = tpu.memref_squeeze %dma_wait3A_47 : memref<1x40x128xi32, #tpu.memory_space<hbm>> -> memref<40x128xi32, #tpu.memory_space<hbm>>
        %dma_wait3A_49 = arith.constant 0 : i32
        %dma_wait3A_50 = tpu.memref_slice %arg4[%add3A, %mul3A_29, %dma_wait3A_49] : memref<32x80x128xi32, #tpu.memory_space<hbm>> -> memref<1x40x128xi32, #tpu.memory_space<hbm>>
        %dma_wait3A_51 = tpu.memref_squeeze %dma_wait3A_50 : memref<1x40x128xi32, #tpu.memory_space<hbm>> -> memref<40x128xi32, #tpu.memory_space<hbm>>
        tpu.wait_dma2 semaphore(%run_scoped3A : memref<!tpu.dma_semaphore, #tpu.memory_space<semaphore_mem>>) src(%dma_wait3A_51 : memref<40x128xi32, #tpu.memory_space<hbm>>) dst(%arg7 : memref<40x128xi32, #tpu.memory_space<vmem>>)
        tpu.yield
      }) : () -> ()
      %dma_start3A = arith.constant 0 : i32
      %dma_start3A_30 = arith.constant 0 : i32
      %dma_start3A_31 = tpu.memref_slice %arg6[%dma_start3A, %dma_start3A_30] : memref<40x128xi32, #tpu.memory_space<vmem>> -> memref<1x128xi32, #tpu.memory_space<vmem>>
      %dma_start3A_32 = tpu.memref_squeeze %dma_start3A_31 : memref<1x128xi32, #tpu.memory_space<vmem>> -> memref<128xi32, #tpu.memory_space<vmem>>
      %dma_start3A_33 = arith.constant 0 : i32
      %dma_start3A_34 = arith.constant 0 : i32
      %dma_start3A_35 = tpu.memref_slice %arg2[%dma_start3A_33, %dma_start3A_34] : memref<10000x128xf32, #tpu.memory_space<hbm>> -> memref<10000x128xf32, #tpu.memory_space<hbm>>
      tpu.enqueue_indirect_dma source(%dma_start3A_35 : memref<10000x128xf32, #tpu.memory_space<hbm>>) target(%arg8 : memref<128x128xf32, #tpu.memory_space<vmem>>) offsets(%dma_start3A_32 : memref<128xi32, #tpu.memory_space<vmem>>) semaphore(%arg11 : memref<!tpu.dma_semaphore, #tpu.memory_space<semaphore_mem>>)
      %scan3A_36 = arith.constant 0 : i32
      %scan3A_37 = arith.constant 20 : i32
      %scan3A_38 = arith.addi %scan3A_36, %scan3A_37 : i32
      %scan3A_39 = arith.constant 1 : i32
      scf.for %scan3A_41 = %scan3A_36 to %scan3A_38 step %scan3A_39  : i32 {
        %mul3A_42 = arith.constant 2 : i32
        %mul3A_43 = arith.muli %scan3A_41, %mul3A_42 : i32
        %add3A_44 = arith.constant 0 : i32
        %add3A_45 = arith.addi %add3A_44, %mul3A_43 : i32
        %dma_wait3A = arith.constant 0 : i32
        %dma_wait3A_46 = tpu.memref_slice %arg6[%add3A_45, %dma_wait3A] : memref<40x128xi32, #tpu.memory_space<vmem>> -> memref<1x128xi32, #tpu.memory_space<vmem>>
        %dma_wait3A_47 = tpu.memref_squeeze %dma_wait3A_46 : memref<1x128xi32, #tpu.memory_space<vmem>> -> memref<128xi32, #tpu.memory_space<vmem>>
        %dma_wait3A_48 = arith.constant 0 : i32
        %dma_wait3A_49 = arith.constant 0 : i32
        %dma_wait3A_50 = tpu.memref_slice %arg2[%dma_wait3A_48, %dma_wait3A_49] : memref<10000x128xf32, #tpu.memory_space<hbm>> -> memref<10000x128xf32, #tpu.memory_space<hbm>>
        tpu.wait_indirect_dma semaphore(%arg11 : memref<!tpu.dma_semaphore, #tpu.memory_space<semaphore_mem>>) src(%dma_wait3A_50 : memref<10000x128xf32, #tpu.memory_space<hbm>>) dst(%arg8 : memref<128x128xf32, #tpu.memory_space<vmem>>)
        %add3A_51 = arith.constant 1 : i32
        %add3A_52 = arith.addi %add3A_45, %add3A_51 : i32
        %dma_start3A_53 = arith.constant 0 : i32
        %dma_start3A_54 = tpu.memref_slice %arg6[%add3A_52, %dma_start3A_53] : memref<40x128xi32, #tpu.memory_space<vmem>> -> memref<1x128xi32, #tpu.memory_space<vmem>>
        %dma_start3A_55 = tpu.memref_squeeze %dma_start3A_54 : memref<1x128xi32, #tpu.memory_space<vmem>> -> memref<128xi32, #tpu.memory_space<vmem>>
        %dma_start3A_56 = arith.constant 0 : i32
        %dma_start3A_57 = arith.constant 0 : i32
        %dma_start3A_58 = tpu.memref_slice %arg2[%dma_start3A_56, %dma_start3A_57] : memref<10000x128xf32, #tpu.memory_space<hbm>> -> memref<10000x128xf32, #tpu.memory_space<hbm>>
        tpu.enqueue_indirect_dma source(%dma_start3A_58 : memref<10000x128xf32, #tpu.memory_space<hbm>>) target(%arg9 : memref<128x128xf32, #tpu.memory_space<vmem>>) offsets(%dma_start3A_55 : memref<128xi32, #tpu.memory_space<vmem>>) semaphore(%arg12 : memref<!tpu.dma_semaphore, #tpu.memory_space<semaphore_mem>>)
        "tpu.region"() ({
          %run_scoped3A = tpu.sem_alloc : memref<!tpu.dma_semaphore, #tpu.memory_space<semaphore_mem>>
          %dma_start3A_73 = arith.constant 0 : i32
          %dma_start3A_74 = tpu.memref_slice %arg7[%add3A_45, %dma_start3A_73] : memref<40x128xi32, #tpu.memory_space<vmem>> -> memref<1x128xi32, #tpu.memory_space<vmem>>
          %dma_start3A_75 = tpu.memref_squeeze %dma_start3A_74 : memref<1x128xi32, #tpu.memory_space<vmem>> -> memref<128xi32, #tpu.memory_space<vmem>>
          %dma_start3A_76 = arith.constant 0 : i32
          %dma_start3A_77 = arith.constant 0 : i32
          %dma_start3A_78 = tpu.memref_slice %arg10[%dma_start3A_76, %dma_start3A_77] : memref<10240x128xf32, #tpu.memory_space<vmem_shared>> -> memref<10240x128xf32, #tpu.memory_space<vmem_shared>>
          tpu.enqueue_indirect_dma source(%arg8 : memref<128x128xf32, #tpu.memory_space<vmem>>) target(%dma_start3A_78 : memref<10240x128xf32, #tpu.memory_space<vmem_shared>>) offsets(%dma_start3A_75 : memref<128xi32, #tpu.memory_space<vmem>>) semaphore(%run_scoped3A : memref<!tpu.dma_semaphore, #tpu.memory_space<semaphore_mem>>) {add = true}
          %dma_wait3A_79 = arith.constant 0 : i32
          %dma_wait3A_80 = tpu.memref_slice %arg7[%add3A_45, %dma_wait3A_79] : memref<40x128xi32, #tpu.memory_space<vmem>> -> memref<1x128xi32, #tpu.memory_space<vmem>>
          %dma_wait3A_81 = tpu.memref_squeeze %dma_wait3A_80 : memref<1x128xi32, #tpu.memory_space<vmem>> -> memref<128xi32, #tpu.memory_space<vmem>>
          %dma_wait3A_82 = arith.constant 0 : i32
          %dma_wait3A_83 = arith.constant 0 : i32
          %dma_wait3A_84 = tpu.memref_slice %arg10[%dma_wait3A_82, %dma_wait3A_83] : memref<10240x128xf32, #tpu.memory_space<vmem_shared>> -> memref<10240x128xf32, #tpu.memory_space<vmem_shared>>
          tpu.wait_indirect_dma semaphore(%run_scoped3A : memref<!tpu.dma_semaphore, #tpu.memory_space<semaphore_mem>>) src(%arg8 : memref<128x128xf32, #tpu.memory_space<vmem>>) dst(%dma_wait3A_84 : memref<10240x128xf32, #tpu.memory_space<vmem_shared>>)
          tpu.yield
        }) : () -> ()
        %add3A_59 = arith.constant 1 : i32
        %add3A_60 = arith.addi %add3A_45, %add3A_59 : i32
        %dma_wait3A_61 = arith.constant 0 : i32
        %dma_wait3A_62 = tpu.memref_slice %arg6[%add3A_60, %dma_wait3A_61] : memref<40x128xi32, #tpu.memory_space<vmem>> -> memref<1x128xi32, #tpu.memory_space<vmem>>
        %dma_wait3A_63 = tpu.memref_squeeze %dma_wait3A_62 : memref<1x128xi32, #tpu.memory_space<vmem>> -> memref<128xi32, #tpu.memory_space<vmem>>
        %dma_wait3A_64 = arith.constant 0 : i32
        %dma_wait3A_65 = arith.constant 0 : i32
        %dma_wait3A_66 = tpu.memref_slice %arg2[%dma_wait3A_64, %dma_wait3A_65] : memref<10000x128xf32, #tpu.memory_space<hbm>> -> memref<10000x128xf32, #tpu.memory_space<hbm>>
        tpu.wait_indirect_dma semaphore(%arg12 : memref<!tpu.dma_semaphore, #tpu.memory_space<semaphore_mem>>) src(%dma_wait3A_66 : memref<10000x128xf32, #tpu.memory_space<hbm>>) dst(%arg9 : memref<128x128xf32, #tpu.memory_space<vmem>>)
        %add3A_67 = arith.constant 2 : i32
        %add3A_68 = arith.addi %add3A_45, %add3A_67 : i32
        %lt3A = arith.constant 40 : i32
        %lt3A_69 = arith.cmpi slt, %add3A_68, %lt3A : i32
        %convert_element_type3A = arith.extui %lt3A_69 : i1 to i32
        %cond3A = arith.constant 0 : i32
        %cond3A_70 = arith.cmpi ne, %convert_element_type3A, %cond3A : i32
        scf.if %cond3A_70 {
          %add3A_73 = arith.constant 2 : i32
          %add3A_74 = arith.addi %add3A_45, %add3A_73 : i32
          %dma_start3A_75 = arith.constant 0 : i32
          %dma_start3A_76 = tpu.memref_slice %arg6[%add3A_74, %dma_start3A_75] : memref<40x128xi32, #tpu.memory_space<vmem>> -> memref<1x128xi32, #tpu.memory_space<vmem>>
          %dma_start3A_77 = tpu.memref_squeeze %dma_start3A_76 : memref<1x128xi32, #tpu.memory_space<vmem>> -> memref<128xi32, #tpu.memory_space<vmem>>
          %dma_start3A_78 = arith.constant 0 : i32
          %dma_start3A_79 = arith.constant 0 : i32
          %dma_start3A_80 = tpu.memref_slice %arg2[%dma_start3A_78, %dma_start3A_79] : memref<10000x128xf32, #tpu.memory_space<hbm>> -> memref<10000x128xf32, #tpu.memory_space<hbm>>
          tpu.enqueue_indirect_dma source(%dma_start3A_80 : memref<10000x128xf32, #tpu.memory_space<hbm>>) target(%arg8 : memref<128x128xf32, #tpu.memory_space<vmem>>) offsets(%dma_start3A_77 : memref<128xi32, #tpu.memory_space<vmem>>) semaphore(%arg11 : memref<!tpu.dma_semaphore, #tpu.memory_space<semaphore_mem>>)
        } else {
        }
        %add3A_71 = arith.constant 1 : i32
        %add3A_72 = arith.addi %add3A_45, %add3A_71 : i32
        "tpu.region"() ({
          %run_scoped3A = tpu.sem_alloc : memref<!tpu.dma_semaphore, #tpu.memory_space<semaphore_mem>>
          %dma_start3A_73 = arith.constant 0 : i32
          %dma_start3A_74 = tpu.memref_slice %arg7[%add3A_72, %dma_start3A_73] : memref<40x128xi32, #tpu.memory_space<vmem>> -> memref<1x128xi32, #tpu.memory_space<vmem>>
          %dma_start3A_75 = tpu.memref_squeeze %dma_start3A_74 : memref<1x128xi32, #tpu.memory_space<vmem>> -> memref<128xi32, #tpu.memory_space<vmem>>
          %dma_start3A_76 = arith.constant 0 : i32
          %dma_start3A_77 = arith.constant 0 : i32
          %dma_start3A_78 = tpu.memref_slice %arg10[%dma_start3A_76, %dma_start3A_77] : memref<10240x128xf32, #tpu.memory_space<vmem_shared>> -> memref<10240x128xf32, #tpu.memory_space<vmem_shared>>
          tpu.enqueue_indirect_dma source(%arg9 : memref<128x128xf32, #tpu.memory_space<vmem>>) target(%dma_start3A_78 : memref<10240x128xf32, #tpu.memory_space<vmem_shared>>) offsets(%dma_start3A_75 : memref<128xi32, #tpu.memory_space<vmem>>) semaphore(%run_scoped3A : memref<!tpu.dma_semaphore, #tpu.memory_space<semaphore_mem>>) {add = true}
          %dma_wait3A_79 = arith.constant 0 : i32
          %dma_wait3A_80 = tpu.memref_slice %arg7[%add3A_72, %dma_wait3A_79] : memref<40x128xi32, #tpu.memory_space<vmem>> -> memref<1x128xi32, #tpu.memory_space<vmem>>
          %dma_wait3A_81 = tpu.memref_squeeze %dma_wait3A_80 : memref<1x128xi32, #tpu.memory_space<vmem>> -> memref<128xi32, #tpu.memory_space<vmem>>
          %dma_wait3A_82 = arith.constant 0 : i32
          %dma_wait3A_83 = arith.constant 0 : i32
          %dma_wait3A_84 = tpu.memref_slice %arg10[%dma_wait3A_82, %dma_wait3A_83] : memref<10240x128xf32, #tpu.memory_space<vmem_shared>> -> memref<10240x128xf32, #tpu.memory_space<vmem_shared>>
          tpu.wait_indirect_dma semaphore(%run_scoped3A : memref<!tpu.dma_semaphore, #tpu.memory_space<semaphore_mem>>) src(%arg9 : memref<128x128xf32, #tpu.memory_space<vmem>>) dst(%dma_wait3A_84 : memref<10240x128xf32, #tpu.memory_space<vmem_shared>>)
          tpu.yield
        }) : () -> ()
      }
      %scan3A_40 = arith.constant 20 : i32
    }
    %scan3A_14 = arith.constant 2 : i32
    %barrier3A_15 = arith.constant 0 : index
    tpu.barrier barrier_id(%barrier3A_15)
    %scan3A_16 = arith.constant 0 : i32
    %scan3A_17 = arith.constant 5 : i32
    %scan3A_18 = arith.addi %scan3A_16, %scan3A_17 : i32
    %scan3A_19 = arith.constant 1 : i32
    scf.for %scan3A_21 = %scan3A_16 to %scan3A_18 step %scan3A_19  : i32 {
      %mul3A_22 = arith.constant 1 : i32
      %mul3A_23 = arith.muli %scan3A_21, %mul3A_22 : i32
      %add3A_24 = arith.constant 0 : i32
      %add3A_25 = arith.addi %add3A_24, %mul3A_23 : i32
      %mul3A_26 = arith.constant 640 : i32
      %mul3A_27 = arith.muli %arg1, %mul3A_26 : i32
      %mul3A_28 = arith.constant 128 : i32
      %mul3A_29 = arith.muli %add3A_25, %mul3A_28 : i32
      %add3A_30 = arith.addi %mul3A_27, %mul3A_29 : i32
      "tpu.region"() ({
        %run_scoped3A = tpu.sem_alloc : memref<!tpu.dma_semaphore, #tpu.memory_space<semaphore_mem>>
        %dma_start3A = arith.constant 0 : i32
        %dma_start3A_31 = tpu.memref_slice %arg5[%arg0, %add3A_30, %dma_start3A] : memref<2x10240x128xf32, #tpu.memory_space<hbm>> -> memref<1x128x128xf32, #tpu.memory_space<hbm>>
        %dma_start3A_32 = tpu.memref_squeeze %dma_start3A_31 : memref<1x128x128xf32, #tpu.memory_space<hbm>> -> memref<128x128xf32, #tpu.memory_space<hbm>>
        %dma_start3A_33 = arith.constant 0 : i32
        %dma_start3A_34 = tpu.memref_slice %arg10[%add3A_30, %dma_start3A_33] : memref<10240x128xf32, #tpu.memory_space<vmem_shared>> -> memref<128x128xf32, #tpu.memory_space<vmem_shared>>
        tpu.enqueue_dma source(%dma_start3A_34 : memref<128x128xf32, #tpu.memory_space<vmem_shared>>) target(%dma_start3A_32 : memref<128x128xf32, #tpu.memory_space<hbm>>) target_semaphore(%run_scoped3A : memref<!tpu.dma_semaphore, #tpu.memory_space<semaphore_mem>>)
        %dma_wait3A = arith.constant 0 : i32
        %dma_wait3A_35 = tpu.memref_slice %arg5[%arg0, %add3A_30, %dma_wait3A] : memref<2x10240x128xf32, #tpu.memory_space<hbm>> -> memref<1x128x128xf32, #tpu.memory_space<hbm>>
        %dma_wait3A_36 = tpu.memref_squeeze %dma_wait3A_35 : memref<1x128x128xf32, #tpu.memory_space<hbm>> -> memref<128x128xf32, #tpu.memory_space<hbm>>
        %dma_wait3A_37 = arith.constant 0 : i32
        %dma_wait3A_38 = tpu.memref_slice %arg10[%add3A_30, %dma_wait3A_37] : memref<10240x128xf32, #tpu.memory_space<vmem_shared>> -> memref<128x128xf32, #tpu.memory_space<vmem_shared>>
        tpu.wait_dma2 semaphore(%run_scoped3A : memref<!tpu.dma_semaphore, #tpu.memory_space<semaphore_mem>>) src(%dma_wait3A_38 : memref<128x128xf32, #tpu.memory_space<vmem_shared>>) dst(%dma_wait3A_36 : memref<128x128xf32, #tpu.memory_space<hbm>>)
        tpu.yield
      }) : () -> ()
    }
    %scan3A_20 = arith.constant 5 : i32
    return
  }
}

#map = affine_map<(d0, d1) -> (0, 0)>
#map1 = affine_map<(d0, d1) -> (0, 0, 0)>
module attributes {stable_mosaic.version = 14 : i64} {
  func.func @_sc_aggr(%arg0: i32, %arg1: i32, %arg2: memref<10000x128xf32, #tpu.memory_space<hbm>>, %arg3: memref<32x80x128xi32, #tpu.memory_space<hbm>>, %arg4: memref<32x80x128xi32, #tpu.memory_space<hbm>>, %arg5: memref<2x10240x128xf32, #tpu.memory_space<hbm>>, %arg6: memref<40x128xi32, #tpu.memory_space<vmem>>, %arg7: memref<40x128xi32, #tpu.memory_space<vmem>>, %arg8: memref<128x128xf32, #tpu.memory_space<vmem>>, %arg9: memref<128x128xf32, #tpu.memory_space<vmem>>, %arg10: memref<10240x128xf32, #tpu.memory_space<vmem_shared>>, %arg11: memref<!tpu.dma_semaphore, #tpu.memory_space<semaphore_mem>>, %arg12: memref<!tpu.dma_semaphore, #tpu.memory_space<semaphore_mem>>) attributes {dimension_semantics = [#tpu.dimension_semantics<core_parallel>, #tpu.dimension_semantics<subcore_parallel>], iteration_bounds = array<i64: 2, 16>, scalar_prefetch = 0 : i64, scratch_operands = 7 : i64, tpu.core_type = #tpu.core_type<sc_vector_subcore>, window_params = [{transform_indices = #map}, {transform_indices = #map1}, {transform_indices = #map1}, {transform_indices = #map1}]} {
    %mul3A = arith.constant 16 : i32
    %mul3A_0 = arith.muli %arg0, %mul3A : i32
    %add3A = arith.addi %mul3A_0, %arg1 : i32
    %scan3A = arith.constant 0 : i32
    %scan3A_1 = arith.constant 128 : i32
    %scan3A_2 = arith.addi %scan3A, %scan3A_1 : i32
    %scan3A_3 = arith.constant 1 : i32
    scf.for %scan3A_21 = %scan3A to %scan3A_2 step %scan3A_3  : i32 {
      %mul3A_22 = arith.constant 1 : i32
      %mul3A_23 = arith.muli %scan3A_21, %mul3A_22 : i32
      %add3A_24 = arith.constant 0 : i32
      %add3A_25 = arith.addi %add3A_24, %mul3A_23 : i32
      %scan3A_26 = arith.constant 0 : i32
      %scan3A_27 = arith.constant 8 : i32
      %scan3A_28 = arith.addi %scan3A_26, %scan3A_27 : i32
      %scan3A_29 = arith.constant 1 : i32
      scf.for %scan3A_31 = %scan3A_26 to %scan3A_28 step %scan3A_29  : i32 {
        %mul3A_32 = arith.constant 16 : i32
        %mul3A_33 = arith.muli %scan3A_31, %mul3A_32 : i32
        %add3A_34 = arith.constant 0 : i32
        %add3A_35 = arith.addi %add3A_34, %mul3A_33 : i32
        %broadcast_in_dim3A = arith.constant 0.000000e+00 : f32
        %broadcast_in_dim3A_36 = vector.broadcast %broadcast_in_dim3A : f32 to vector<16xf32>
        %swap3A = arith.index_cast %add3A_25 : i32 to index
        %swap3A_37 = arith.index_cast %add3A_35 : i32 to index
        %swap3A_38 = tpu.vector_load %arg8[%swap3A, %swap3A_37] {strides = array<i32>} : memref<128x128xf32, #tpu.memory_space<vmem>>, vector<1x16xf32>,
        %swap3A_39 = vector.shape_cast %swap3A_38 : vector<1x16xf32> to vector<16xf32>
        %swap3A_40 = vector.shape_cast %broadcast_in_dim3A_36 : vector<16xf32> to vector<1x16xf32>
        tpu.vector_store %arg8[%swap3A, %swap3A_37], %swap3A_40 {strides = array<i32>} : memref<128x128xf32, #tpu.memory_space<vmem>>, vector<1x16xf32>,
      }
      %scan3A_30 = arith.constant 8 : i32
    }
    %scan3A_4 = arith.constant 128 : i32
    %scan3A_5 = arith.constant 0 : i32
    %scan3A_6 = arith.constant 5 : i32
    %scan3A_7 = arith.addi %scan3A_5, %scan3A_6 : i32
    %scan3A_8 = arith.constant 1 : i32
    scf.for %scan3A_21 = %scan3A_5 to %scan3A_7 step %scan3A_8  : i32 {
      %mul3A_22 = arith.constant 1 : i32
      %mul3A_23 = arith.muli %scan3A_21, %mul3A_22 : i32
      %add3A_24 = arith.constant 0 : i32
      %add3A_25 = arith.addi %add3A_24, %mul3A_23 : i32
      %mul3A_26 = arith.constant 640 : i32
      %mul3A_27 = arith.muli %arg1, %mul3A_26 : i32
      %mul3A_28 = arith.constant 128 : i32
      %mul3A_29 = arith.muli %add3A_25, %mul3A_28 : i32
      %add3A_30 = arith.addi %mul3A_27, %mul3A_29 : i32
      "tpu.region"() ({
        %run_scoped3A = tpu.sem_alloc : memref<!tpu.dma_semaphore, #tpu.memory_space<semaphore_mem>>
        %dma_start3A = arith.constant 0 : i32
        %dma_start3A_31 = tpu.memref_slice %arg10[%add3A_30, %dma_start3A] : memref<10240x128xf32, #tpu.memory_space<vmem_shared>> -> memref<128x128xf32, #tpu.memory_space<vmem_shared>>
        %dma_start3A_32 = arith.constant 0 : i32
        %dma_start3A_33 = tpu.memref_slice %arg10[%add3A_30, %dma_start3A_32] : memref<10240x128xf32, #tpu.memory_space<vmem_shared>> -> memref<128x128xf32, #tpu.memory_space<vmem_shared>>
        tpu.enqueue_dma source(%arg8 : memref<128x128xf32, #tpu.memory_space<vmem>>) target(%dma_start3A_33 : memref<128x128xf32, #tpu.memory_space<vmem_shared>>) target_semaphore(%run_scoped3A : memref<!tpu.dma_semaphore, #tpu.memory_space<semaphore_mem>>)
        %dma_wait3A = arith.constant 0 : i32
        %dma_wait3A_34 = tpu.memref_slice %arg10[%add3A_30, %dma_wait3A] : memref<10240x128xf32, #tpu.memory_space<vmem_shared>> -> memref<128x128xf32, #tpu.memory_space<vmem_shared>>
        %dma_wait3A_35 = arith.constant 0 : i32
        %dma_wait3A_36 = tpu.memref_slice %arg10[%add3A_30, %dma_wait3A_35] : memref<10240x128xf32, #tpu.memory_space<vmem_shared>> -> memref<128x128xf32, #tpu.memory_space<vmem_shared>>
        tpu.wait_dma2 semaphore(%run_scoped3A : memref<!tpu.dma_semaphore, #tpu.memory_space<semaphore_mem>>) src(%arg8 : memref<128x128xf32, #tpu.memory_space<vmem>>) dst(%dma_wait3A_36 : memref<128x128xf32, #tpu.memory_space<vmem_shared>>)
        tpu.yield
      }) : () -> ()
    }
    %scan3A_9 = arith.constant 5 : i32
    %barrier3A = arith.constant 0 : index
    tpu.barrier barrier_id(%barrier3A)
    %scan3A_10 = arith.constant 0 : i32
    %scan3A_11 = arith.constant 2 : i32
    %scan3A_12 = arith.addi %scan3A_10, %scan3A_11 : i32
    %scan3A_13 = arith.constant 1 : i32
    scf.for %scan3A_21 = %scan3A_10 to %scan3A_12 step %scan3A_13  : i32 {
      %mul3A_22 = arith.constant 1 : i32
      %mul3A_23 = arith.muli %scan3A_21, %mul3A_22 : i32
      %add3A_24 = arith.constant 0 : i32
      %add3A_25 = arith.addi %add3A_24, %mul3A_23 : i32
      %mul3A_26 = arith.constant 40 : i32
      %mul3A_27 = arith.muli %add3A_25, %mul3A_26 : i32
      "tpu.region"() ({
        %run_scoped3A = tpu.sem_alloc : memref<!tpu.dma_semaphore, #tpu.memory_space<semaphore_mem>>
        %dma_start3A_41 = arith.constant 0 : i32
        %dma_start3A_42 = tpu.memref_slice %arg3[%add3A, %mul3A_27, %dma_start3A_41] : memref<32x80x128xi32, #tpu.memory_space<hbm>> -> memref<1x40x128xi32, #tpu.memory_space<hbm>>
        %dma_start3A_43 = tpu.memref_squeeze %dma_start3A_42 : memref<1x40x128xi32, #tpu.memory_space<hbm>> -> memref<40x128xi32, #tpu.memory_space<hbm>>
        %dma_start3A_44 = arith.constant 0 : i32
        %dma_start3A_45 = tpu.memref_slice %arg3[%add3A, %mul3A_27, %dma_start3A_44] : memref<32x80x128xi32, #tpu.memory_space<hbm>> -> memref<1x40x128xi32, #tpu.memory_space<hbm>>
        %dma_start3A_46 = tpu.memref_squeeze %dma_start3A_45 : memref<1x40x128xi32, #tpu.memory_space<hbm>> -> memref<40x128xi32, #tpu.memory_space<hbm>>
        tpu.enqueue_dma source(%dma_start3A_46 : memref<40x128xi32, #tpu.memory_space<hbm>>) target(%arg6 : memref<40x128xi32, #tpu.memory_space<vmem>>) target_semaphore(%run_scoped3A : memref<!tpu.dma_semaphore, #tpu.memory_space<semaphore_mem>>)
        %dma_wait3A = arith.constant 0 : i32
        %dma_wait3A_47 = tpu.memref_slice %arg3[%add3A, %mul3A_27, %dma_wait3A] : memref<32x80x128xi32, #tpu.memory_space<hbm>> -> memref<1x40x128xi32, #tpu.memory_space<hbm>>
        %dma_wait3A_48 = tpu.memref_squeeze %dma_wait3A_47 : memref<1x40x128xi32, #tpu.memory_space<hbm>> -> memref<40x128xi32, #tpu.memory_space<hbm>>
        %dma_wait3A_49 = arith.constant 0 : i32
        %dma_wait3A_50 = tpu.memref_slice %arg3[%add3A, %mul3A_27, %dma_wait3A_49] : memref<32x80x128xi32, #tpu.memory_space<hbm>> -> memref<1x40x128xi32, #tpu.memory_space<hbm>>
        %dma_wait3A_51 = tpu.memref_squeeze %dma_wait3A_50 : memref<1x40x128xi32, #tpu.memory_space<hbm>> -> memref<40x128xi32, #tpu.memory_space<hbm>>
        tpu.wait_dma2 semaphore(%run_scoped3A : memref<!tpu.dma_semaphore, #tpu.memory_space<semaphore_mem>>) src(%dma_wait3A_51 : memref<40x128xi32, #tpu.memory_space<hbm>>) dst(%arg6 : memref<40x128xi32, #tpu.memory_space<vmem>>)
        tpu.yield
      }) : () -> ()
      %mul3A_28 = arith.constant 40 : i32
      %mul3A_29 = arith.muli %add3A_25, %mul3A_28 : i32
      "tpu.region"() ({
        %run_scoped3A = tpu.sem_alloc : memref<!tpu.dma_semaphore, #tpu.memory_space<semaphore_mem>>
        %dma_start3A_41 = arith.constant 0 : i32
        %dma_start3A_42 = tpu.memref_slice %arg4[%add3A, %mul3A_29, %dma_start3A_41] : memref<32x80x128xi32, #tpu.memory_space<hbm>> -> memref<1x40x128xi32, #tpu.memory_space<hbm>>
        %dma_start3A_43 = tpu.memref_squeeze %dma_start3A_42 : memref<1x40x128xi32, #tpu.memory_space<hbm>> -> memref<40x128xi32, #tpu.memory_space<hbm>>
        %dma_start3A_44 = arith.constant 0 : i32
        %dma_start3A_45 = tpu.memref_slice %arg4[%add3A, %mul3A_29, %dma_start3A_44] : memref<32x80x128xi32, #tpu.memory_space<hbm>> -> memref<1x40x128xi32, #tpu.memory_space<hbm>>
        %dma_start3A_46 = tpu.memref_squeeze %dma_start3A_45 : memref<1x40x128xi32, #tpu.memory_space<hbm>> -> memref<40x128xi32, #tpu.memory_space<hbm>>
        tpu.enqueue_dma source(%dma_start3A_46 : memref<40x128xi32, #tpu.memory_space<hbm>>) target(%arg7 : memref<40x128xi32, #tpu.memory_space<vmem>>) target_semaphore(%run_scoped3A : memref<!tpu.dma_semaphore, #tpu.memory_space<semaphore_mem>>)
        %dma_wait3A = arith.constant 0 : i32
        %dma_wait3A_47 = tpu.memref_slice %arg4[%add3A, %mul3A_29, %dma_wait3A] : memref<32x80x128xi32, #tpu.memory_space<hbm>> -> memref<1x40x128xi32, #tpu.memory_space<hbm>>
        %dma_wait3A_48 = tpu.memref_squeeze %dma_wait3A_47 : memref<1x40x128xi32, #tpu.memory_space<hbm>> -> memref<40x128xi32, #tpu.memory_space<hbm>>
        %dma_wait3A_49 = arith.constant 0 : i32
        %dma_wait3A_50 = tpu.memref_slice %arg4[%add3A, %mul3A_29, %dma_wait3A_49] : memref<32x80x128xi32, #tpu.memory_space<hbm>> -> memref<1x40x128xi32, #tpu.memory_space<hbm>>
        %dma_wait3A_51 = tpu.memref_squeeze %dma_wait3A_50 : memref<1x40x128xi32, #tpu.memory_space<hbm>> -> memref<40x128xi32, #tpu.memory_space<hbm>>
        tpu.wait_dma2 semaphore(%run_scoped3A : memref<!tpu.dma_semaphore, #tpu.memory_space<semaphore_mem>>) src(%dma_wait3A_51 : memref<40x128xi32, #tpu.memory_space<hbm>>) dst(%arg7 : memref<40x128xi32, #tpu.memory_space<vmem>>)
        tpu.yield
      }) : () -> ()
      %dma_start3A = arith.constant 0 : i32
      %dma_start3A_30 = arith.constant 0 : i32
      %dma_start3A_31 = tpu.memref_slice %arg6[%dma_start3A, %dma_start3A_30] : memref<40x128xi32, #tpu.memory_space<vmem>> -> memref<1x128xi32, #tpu.memory_space<vmem>>
      %dma_start3A_32 = tpu.memref_squeeze %dma_start3A_31 : memref<1x128xi32, #tpu.memory_space<vmem>> -> memref<128xi32, #tpu.memory_space<vmem>>
      %dma_start3A_33 = arith.constant 0 : i32
      %dma_start3A_34 = arith.constant 0 : i32
      %dma_start3A_35 = tpu.memref_slice %arg2[%dma_start3A_33, %dma_start3A_34] : memref<10000x128xf32, #tpu.memory_space<hbm>> -> memref<10000x128xf32, #tpu.memory_space<hbm>>
      tpu.enqueue_indirect_dma source(%dma_start3A_35 : memref<10000x128xf32, #tpu.memory_space<hbm>>) target(%arg8 : memref<128x128xf32, #tpu.memory_space<vmem>>) offsets(%dma_start3A_32 : memref<128xi32, #tpu.memory_space<vmem>>) semaphore(%arg11 : memref<!tpu.dma_semaphore, #tpu.memory_space<semaphore_mem>>)
      %scan3A_36 = arith.constant 0 : i32
      %scan3A_37 = arith.constant 20 : i32
      %scan3A_38 = arith.addi %scan3A_36, %scan3A_37 : i32
      %scan3A_39 = arith.constant 1 : i32
      scf.for %scan3A_41 = %scan3A_36 to %scan3A_38 step %scan3A_39  : i32 {
        %mul3A_42 = arith.constant 2 : i32
        %mul3A_43 = arith.muli %scan3A_41, %mul3A_42 : i32
        %add3A_44 = arith.constant 0 : i32
        %add3A_45 = arith.addi %add3A_44, %mul3A_43 : i32
        %dma_wait3A = arith.constant 0 : i32
        %dma_wait3A_46 = tpu.memref_slice %arg6[%add3A_45, %dma_wait3A] : memref<40x128xi32, #tpu.memory_space<vmem>> -> memref<1x128xi32, #tpu.memory_space<vmem>>
        %dma_wait3A_47 = tpu.memref_squeeze %dma_wait3A_46 : memref<1x128xi32, #tpu.memory_space<vmem>> -> memref<128xi32, #tpu.memory_space<vmem>>
        %dma_wait3A_48 = arith.constant 0 : i32
        %dma_wait3A_49 = arith.constant 0 : i32
        %dma_wait3A_50 = tpu.memref_slice %arg2[%dma_wait3A_48, %dma_wait3A_49] : memref<10000x128xf32, #tpu.memory_space<hbm>> -> memref<10000x128xf32, #tpu.memory_space<hbm>>
        tpu.wait_indirect_dma semaphore(%arg11 : memref<!tpu.dma_semaphore, #tpu.memory_space<semaphore_mem>>) src(%dma_wait3A_50 : memref<10000x128xf32, #tpu.memory_space<hbm>>) dst(%arg8 : memref<128x128xf32, #tpu.memory_space<vmem>>)
        %add3A_51 = arith.constant 1 : i32
        %add3A_52 = arith.addi %add3A_45, %add3A_51 : i32
        %dma_start3A_53 = arith.constant 0 : i32
        %dma_start3A_54 = tpu.memref_slice %arg6[%add3A_52, %dma_start3A_53] : memref<40x128xi32, #tpu.memory_space<vmem>> -> memref<1x128xi32, #tpu.memory_space<vmem>>
        %dma_start3A_55 = tpu.memref_squeeze %dma_start3A_54 : memref<1x128xi32, #tpu.memory_space<vmem>> -> memref<128xi32, #tpu.memory_space<vmem>>
        %dma_start3A_56 = arith.constant 0 : i32
        %dma_start3A_57 = arith.constant 0 : i32
        %dma_start3A_58 = tpu.memref_slice %arg2[%dma_start3A_56, %dma_start3A_57] : memref<10000x128xf32, #tpu.memory_space<hbm>> -> memref<10000x128xf32, #tpu.memory_space<hbm>>
        tpu.enqueue_indirect_dma source(%dma_start3A_58 : memref<10000x128xf32, #tpu.memory_space<hbm>>) target(%arg9 : memref<128x128xf32, #tpu.memory_space<vmem>>) offsets(%dma_start3A_55 : memref<128xi32, #tpu.memory_space<vmem>>) semaphore(%arg12 : memref<!tpu.dma_semaphore, #tpu.memory_space<semaphore_mem>>)
        "tpu.region"() ({
          %run_scoped3A = tpu.sem_alloc : memref<!tpu.dma_semaphore, #tpu.memory_space<semaphore_mem>>
          %dma_start3A_73 = arith.constant 0 : i32
          %dma_start3A_74 = tpu.memref_slice %arg7[%add3A_45, %dma_start3A_73] : memref<40x128xi32, #tpu.memory_space<vmem>> -> memref<1x128xi32, #tpu.memory_space<vmem>>
          %dma_start3A_75 = tpu.memref_squeeze %dma_start3A_74 : memref<1x128xi32, #tpu.memory_space<vmem>> -> memref<128xi32, #tpu.memory_space<vmem>>
          %dma_start3A_76 = arith.constant 0 : i32
          %dma_start3A_77 = arith.constant 0 : i32
          %dma_start3A_78 = tpu.memref_slice %arg10[%dma_start3A_76, %dma_start3A_77] : memref<10240x128xf32, #tpu.memory_space<vmem_shared>> -> memref<10240x128xf32, #tpu.memory_space<vmem_shared>>
          tpu.enqueue_indirect_dma source(%arg8 : memref<128x128xf32, #tpu.memory_space<vmem>>) target(%dma_start3A_78 : memref<10240x128xf32, #tpu.memory_space<vmem_shared>>) offsets(%dma_start3A_75 : memref<128xi32, #tpu.memory_space<vmem>>) semaphore(%run_scoped3A : memref<!tpu.dma_semaphore, #tpu.memory_space<semaphore_mem>>) {add = true}
          %dma_wait3A_79 = arith.constant 0 : i32
          %dma_wait3A_80 = tpu.memref_slice %arg7[%add3A_45, %dma_wait3A_79] : memref<40x128xi32, #tpu.memory_space<vmem>> -> memref<1x128xi32, #tpu.memory_space<vmem>>
          %dma_wait3A_81 = tpu.memref_squeeze %dma_wait3A_80 : memref<1x128xi32, #tpu.memory_space<vmem>> -> memref<128xi32, #tpu.memory_space<vmem>>
          %dma_wait3A_82 = arith.constant 0 : i32
          %dma_wait3A_83 = arith.constant 0 : i32
          %dma_wait3A_84 = tpu.memref_slice %arg10[%dma_wait3A_82, %dma_wait3A_83] : memref<10240x128xf32, #tpu.memory_space<vmem_shared>> -> memref<10240x128xf32, #tpu.memory_space<vmem_shared>>
          tpu.wait_indirect_dma semaphore(%run_scoped3A : memref<!tpu.dma_semaphore, #tpu.memory_space<semaphore_mem>>) src(%arg8 : memref<128x128xf32, #tpu.memory_space<vmem>>) dst(%dma_wait3A_84 : memref<10240x128xf32, #tpu.memory_space<vmem_shared>>)
          tpu.yield
        }) : () -> ()
        %add3A_59 = arith.constant 1 : i32
        %add3A_60 = arith.addi %add3A_45, %add3A_59 : i32
        %dma_wait3A_61 = arith.constant 0 : i32
        %dma_wait3A_62 = tpu.memref_slice %arg6[%add3A_60, %dma_wait3A_61] : memref<40x128xi32, #tpu.memory_space<vmem>> -> memref<1x128xi32, #tpu.memory_space<vmem>>
        %dma_wait3A_63 = tpu.memref_squeeze %dma_wait3A_62 : memref<1x128xi32, #tpu.memory_space<vmem>> -> memref<128xi32, #tpu.memory_space<vmem>>
        %dma_wait3A_64 = arith.constant 0 : i32
        %dma_wait3A_65 = arith.constant 0 : i32
        %dma_wait3A_66 = tpu.memref_slice %arg2[%dma_wait3A_64, %dma_wait3A_65] : memref<10000x128xf32, #tpu.memory_space<hbm>> -> memref<10000x128xf32, #tpu.memory_space<hbm>>
        tpu.wait_indirect_dma semaphore(%arg12 : memref<!tpu.dma_semaphore, #tpu.memory_space<semaphore_mem>>) src(%dma_wait3A_66 : memref<10000x128xf32, #tpu.memory_space<hbm>>) dst(%arg9 : memref<128x128xf32, #tpu.memory_space<vmem>>)
        %add3A_67 = arith.constant 2 : i32
        %add3A_68 = arith.addi %add3A_45, %add3A_67 : i32
        %lt3A = arith.constant 40 : i32
        %lt3A_69 = arith.cmpi slt, %add3A_68, %lt3A : i32
        %convert_element_type3A = arith.extui %lt3A_69 : i1 to i32
        %cond3A = arith.constant 0 : i32
        %cond3A_70 = arith.cmpi ne, %convert_element_type3A, %cond3A : i32
        scf.if %cond3A_70 {
          %add3A_73 = arith.constant 2 : i32
          %add3A_74 = arith.addi %add3A_45, %add3A_73 : i32
          %dma_start3A_75 = arith.constant 0 : i32
          %dma_start3A_76 = tpu.memref_slice %arg6[%add3A_74, %dma_start3A_75] : memref<40x128xi32, #tpu.memory_space<vmem>> -> memref<1x128xi32, #tpu.memory_space<vmem>>
          %dma_start3A_77 = tpu.memref_squeeze %dma_start3A_76 : memref<1x128xi32, #tpu.memory_space<vmem>> -> memref<128xi32, #tpu.memory_space<vmem>>
          %dma_start3A_78 = arith.constant 0 : i32
          %dma_start3A_79 = arith.constant 0 : i32
          %dma_start3A_80 = tpu.memref_slice %arg2[%dma_start3A_78, %dma_start3A_79] : memref<10000x128xf32, #tpu.memory_space<hbm>> -> memref<10000x128xf32, #tpu.memory_space<hbm>>
          tpu.enqueue_indirect_dma source(%dma_start3A_80 : memref<10000x128xf32, #tpu.memory_space<hbm>>) target(%arg8 : memref<128x128xf32, #tpu.memory_space<vmem>>) offsets(%dma_start3A_77 : memref<128xi32, #tpu.memory_space<vmem>>) semaphore(%arg11 : memref<!tpu.dma_semaphore, #tpu.memory_space<semaphore_mem>>)
        } else {
        }
        %add3A_71 = arith.constant 1 : i32
        %add3A_72 = arith.addi %add3A_45, %add3A_71 : i32
        "tpu.region"() ({
          %run_scoped3A = tpu.sem_alloc : memref<!tpu.dma_semaphore, #tpu.memory_space<semaphore_mem>>
          %dma_start3A_73 = arith.constant 0 : i32
          %dma_start3A_74 = tpu.memref_slice %arg7[%add3A_72, %dma_start3A_73] : memref<40x128xi32, #tpu.memory_space<vmem>> -> memref<1x128xi32, #tpu.memory_space<vmem>>
          %dma_start3A_75 = tpu.memref_squeeze %dma_start3A_74 : memref<1x128xi32, #tpu.memory_space<vmem>> -> memref<128xi32, #tpu.memory_space<vmem>>
          %dma_start3A_76 = arith.constant 0 : i32
          %dma_start3A_77 = arith.constant 0 : i32
          %dma_start3A_78 = tpu.memref_slice %arg10[%dma_start3A_76, %dma_start3A_77] : memref<10240x128xf32, #tpu.memory_space<vmem_shared>> -> memref<10240x128xf32, #tpu.memory_space<vmem_shared>>
          tpu.enqueue_indirect_dma source(%arg9 : memref<128x128xf32, #tpu.memory_space<vmem>>) target(%dma_start3A_78 : memref<10240x128xf32, #tpu.memory_space<vmem_shared>>) offsets(%dma_start3A_75 : memref<128xi32, #tpu.memory_space<vmem>>) semaphore(%run_scoped3A : memref<!tpu.dma_semaphore, #tpu.memory_space<semaphore_mem>>) {add = true}
          %dma_wait3A_79 = arith.constant 0 : i32
          %dma_wait3A_80 = tpu.memref_slice %arg7[%add3A_72, %dma_wait3A_79] : memref<40x128xi32, #tpu.memory_space<vmem>> -> memref<1x128xi32, #tpu.memory_space<vmem>>
          %dma_wait3A_81 = tpu.memref_squeeze %dma_wait3A_80 : memref<1x128xi32, #tpu.memory_space<vmem>> -> memref<128xi32, #tpu.memory_space<vmem>>
          %dma_wait3A_82 = arith.constant 0 : i32
          %dma_wait3A_83 = arith.constant 0 : i32
          %dma_wait3A_84 = tpu.memref_slice %arg10[%dma_wait3A_82, %dma_wait3A_83] : memref<10240x128xf32, #tpu.memory_space<vmem_shared>> -> memref<10240x128xf32, #tpu.memory_space<vmem_shared>>
          tpu.wait_indirect_dma semaphore(%run_scoped3A : memref<!tpu.dma_semaphore, #tpu.memory_space<semaphore_mem>>) src(%arg9 : memref<128x128xf32, #tpu.memory_space<vmem>>) dst(%dma_wait3A_84 : memref<10240x128xf32, #tpu.memory_space<vmem_shared>>)
          tpu.yield
        }) : () -> ()
      }
      %scan3A_40 = arith.constant 20 : i32
    }
    %scan3A_14 = arith.constant 2 : i32
    %barrier3A_15 = arith.constant 0 : index
    tpu.barrier barrier_id(%barrier3A_15)
    %scan3A_16 = arith.constant 0 : i32
    %scan3A_17 = arith.constant 5 : i32
    %scan3A_18 = arith.addi %scan3A_16, %scan3A_17 : i32
    %scan3A_19 = arith.constant 1 : i32
    scf.for %scan3A_21 = %scan3A_16 to %scan3A_18 step %scan3A_19  : i32 {
      %mul3A_22 = arith.constant 1 : i32
      %mul3A_23 = arith.muli %scan3A_21, %mul3A_22 : i32
      %add3A_24 = arith.constant 0 : i32
      %add3A_25 = arith.addi %add3A_24, %mul3A_23 : i32
      %mul3A_26 = arith.constant 640 : i32
      %mul3A_27 = arith.muli %arg1, %mul3A_26 : i32
      %mul3A_28 = arith.constant 128 : i32
      %mul3A_29 = arith.muli %add3A_25, %mul3A_28 : i32
      %add3A_30 = arith.addi %mul3A_27, %mul3A_29 : i32
      "tpu.region"() ({
        %run_scoped3A = tpu.sem_alloc : memref<!tpu.dma_semaphore, #tpu.memory_space<semaphore_mem>>
        %dma_start3A = arith.constant 0 : i32
        %dma_start3A_31 = tpu.memref_slice %arg5[%arg0, %add3A_30, %dma_start3A] : memref<2x10240x128xf32, #tpu.memory_space<hbm>> -> memref<1x128x128xf32, #tpu.memory_space<hbm>>
        %dma_start3A_32 = tpu.memref_squeeze %dma_start3A_31 : memref<1x128x128xf32, #tpu.memory_space<hbm>> -> memref<128x128xf32, #tpu.memory_space<hbm>>
        %dma_start3A_33 = arith.constant 0 : i32
        %dma_start3A_34 = tpu.memref_slice %arg10[%add3A_30, %dma_start3A_33] : memref<10240x128xf32, #tpu.memory_space<vmem_shared>> -> memref<128x128xf32, #tpu.memory_space<vmem_shared>>
        tpu.enqueue_dma source(%dma_start3A_34 : memref<128x128xf32, #tpu.memory_space<vmem_shared>>) target(%dma_start3A_32 : memref<128x128xf32, #tpu.memory_space<hbm>>) target_semaphore(%run_scoped3A : memref<!tpu.dma_semaphore, #tpu.memory_space<semaphore_mem>>)
        %dma_wait3A = arith.constant 0 : i32
        %dma_wait3A_35 = tpu.memref_slice %arg5[%arg0, %add3A_30, %dma_wait3A] : memref<2x10240x128xf32, #tpu.memory_space<hbm>> -> memref<1x128x128xf32, #tpu.memory_space<hbm>>
        %dma_wait3A_36 = tpu.memref_squeeze %dma_wait3A_35 : memref<1x128x128xf32, #tpu.memory_space<hbm>> -> memref<128x128xf32, #tpu.memory_space<hbm>>
        %dma_wait3A_37 = arith.constant 0 : i32
        %dma_wait3A_38 = tpu.memref_slice %arg10[%add3A_30, %dma_wait3A_37] : memref<10240x128xf32, #tpu.memory_space<vmem_shared>> -> memref<128x128xf32, #tpu.memory_space<vmem_shared>>
        tpu.wait_dma2 semaphore(%run_scoped3A : memref<!tpu.dma_semaphore, #tpu.memory_space<semaphore_mem>>) src(%dma_wait3A_38 : memref<128x128xf32, #tpu.memory_space<vmem_shared>>) dst(%dma_wait3A_36 : memref<128x128xf32, #tpu.memory_space<hbm>>)
        tpu.yield
      }) : () -> ()
    }
    %scan3A_20 = arith.constant 5 : i32
    return
  }
}

module attributes {stable_mosaic.version = 14 : i64} {
  func.func @_dense_body(%arg0: i32, %arg1: memref<1000x128xf32, #tpu.memory_space<vmem>>, %arg2: memref<128x128xf32, #tpu.memory_space<vmem>>, %arg3: memref<1x128xf32, #tpu.memory_space<vmem>>, %arg4: memref<1000x128xf32, #tpu.memory_space<vmem>>) attributes {dimension_semantics = [#tpu.dimension_semantics<arbitrary>], iteration_bounds = array<i64: 10>, scalar_prefetch = 0 : i64, scratch_operands = 0 : i64, tpu.core_type = #tpu.core_type<tc>, window_params = [{transform_indices = @transform_0, window_bounds = array<i64: 1000, 128>}, {pipeline_mode = #tpu.pipeline_mode<synchronous>, transform_indices = @transform_1, window_bounds = array<i64: 128, 128>}, {pipeline_mode = #tpu.pipeline_mode<synchronous>, transform_indices = @transform_2, window_bounds = array<i64: 1, 128>}, {transform_indices = @transform_3, window_bounds = array<i64: 1000, 128>}]} {
    %get3A = arith.constant 0 : index
    %get3A_0 = arith.constant 0 : index
    %get3A_1 = vector.load %arg1[%get3A, %get3A_0] : memref<1000x128xf32, #tpu.memory_space<vmem>>, vector<1000x128xf32>
    %get3A_2 = arith.constant 0 : index
    %get3A_3 = arith.constant 0 : index
    %get3A_4 = vector.load %arg2[%get3A_2, %get3A_3] : memref<128x128xf32, #tpu.memory_space<vmem>>, vector<128x128xf32>
    %dot_general3A = arith.constant dense<0.000000e+00> : vector<1000x128xf32>
    %dot_general3A_5 = tpu.matmul %get3A_1, %get3A_4, %dot_general3A {dimension_numbers = #tpu.dot_dimension_numbers<[1], [0], [0], [1], [0, 0, 1, 1], [], []>, transpose_lhs_hint = false} : vector<1000x128xf32>, vector<128x128xf32>, vector<1000x128xf32> -> vector<1000x128xf32>
    %get3A_6 = arith.constant 0 : index
    %get3A_7 = arith.constant 0 : index
    %get3A_8 = vector.load %arg3[%get3A_6, %get3A_7] : memref<1x128xf32, #tpu.memory_space<vmem>>, vector<1x128xf32>
    %add3A = vector.broadcast %get3A_8 : vector<1x128xf32> to vector<1000x128xf32>
    %add3A_9 = arith.addf %dot_general3A_5, %add3A : vector<1000x128xf32>
    %swap3A = arith.constant 0 : index
    %swap3A_10 = arith.constant 0 : index
    %swap3A_11 = vector.load %arg4[%swap3A, %swap3A_10] : memref<1000x128xf32, #tpu.memory_space<vmem>>, vector<1000x128xf32>
    tpu.vector_store %arg4[%swap3A, %swap3A_10], %add3A_9 {strides = array<i32>} : memref<1000x128xf32, #tpu.memory_space<vmem>>, vector<1000x128xf32>,
    return
  }
  func.func @transform_0(%arg0: i32) -> (i32, i32) {
    %c0_i32 = arith.constant 0 : i32
    %c0_i32_0 = arith.constant 0 : i32
    return %arg0, %c0_i32 : i32, i32
  }
  func.func @transform_1(%arg0: i32) -> (i32, i32) {
    %c0_i32 = arith.constant 0 : i32
    %c0_i32_0 = arith.constant 0 : i32
    %c0_i32_1 = arith.constant 0 : i32
    return %c0_i32, %c0_i32_0 : i32, i32
  }
  func.func @transform_2(%arg0: i32) -> (i32, i32) {
    %c0_i32 = arith.constant 0 : i32
    %c0_i32_0 = arith.constant 0 : i32
    %c0_i32_1 = arith.constant 0 : i32
    return %c0_i32, %c0_i32_0 : i32, i32
  }
  func.func @transform_3(%arg0: i32) -> (i32, i32) {
    %c0_i32 = arith.constant 0 : i32
    %c0_i32_0 = arith.constant 0 : i32
    return %arg0, %c0_i32 : i32, i32
  }
}

module attributes {stable_mosaic.version = 14 : i64} {
  func.func @_fin_body(%arg0: i32, %arg1: memref<2x1000x128xf32, #tpu.memory_space<vmem>>, %arg2: memref<1000x128xf32, #tpu.memory_space<vmem>>, %arg3: memref<128x128xf32, #tpu.memory_space<vmem>>, %arg4: memref<1000x128xf32, #tpu.memory_space<vmem>>) attributes {dimension_semantics = [#tpu.dimension_semantics<arbitrary>], iteration_bounds = array<i64: 10>, scalar_prefetch = 0 : i64, scratch_operands = 0 : i64, tpu.core_type = #tpu.core_type<tc>, window_params = [{transform_indices = @transform_0, window_bounds = array<i64: 2, 1000, 128>}, {transform_indices = @transform_1, window_bounds = array<i64: 1000, 128>}, {pipeline_mode = #tpu.pipeline_mode<synchronous>, transform_indices = @transform_2, window_bounds = array<i64: 128, 128>}, {transform_indices = @transform_3, window_bounds = array<i64: 1000, 128>}]} {
    %get3A = arith.constant 0 : index
    %get3A_0 = arith.constant 0 : index
    %get3A_1 = arith.constant 0 : index
    %get3A_2 = vector.load %arg1[%get3A, %get3A_0, %get3A_1] : memref<2x1000x128xf32, #tpu.memory_space<vmem>>, vector<1x1000x128xf32>
    %get3A_3 = vector.shape_cast %get3A_2 : vector<1x1000x128xf32> to vector<1000x128xf32>
    %get3A_4 = arith.constant 1 : index
    %get3A_5 = arith.constant 0 : index
    %get3A_6 = arith.constant 0 : index
    %get3A_7 = vector.load %arg1[%get3A_4, %get3A_5, %get3A_6] : memref<2x1000x128xf32, #tpu.memory_space<vmem>>, vector<1x1000x128xf32>
    %get3A_8 = vector.shape_cast %get3A_7 : vector<1x1000x128xf32> to vector<1000x128xf32>
    %add3A = arith.addf %get3A_3, %get3A_8 : vector<1000x128xf32>
    %get3A_9 = arith.constant 0 : index
    %get3A_10 = arith.constant 0 : index
    %get3A_11 = vector.load %arg3[%get3A_9, %get3A_10] : memref<128x128xf32, #tpu.memory_space<vmem>>, vector<128x128xf32>
    %dot_general3A = arith.constant dense<0.000000e+00> : vector<1000x128xf32>
    %dot_general3A_12 = tpu.matmul %add3A, %get3A_11, %dot_general3A {dimension_numbers = #tpu.dot_dimension_numbers<[1], [0], [0], [1], [0, 0, 1, 1], [], []>, transpose_lhs_hint = false} : vector<1000x128xf32>, vector<128x128xf32>, vector<1000x128xf32> -> vector<1000x128xf32>
    %get3A_13 = arith.constant 0 : index
    %get3A_14 = arith.constant 0 : index
    %get3A_15 = vector.load %arg2[%get3A_13, %get3A_14] : memref<1000x128xf32, #tpu.memory_space<vmem>>, vector<1000x128xf32>
    %add3A_16 = arith.addf %dot_general3A_12, %get3A_15 : vector<1000x128xf32>
    %max3A = arith.constant 0.000000e+00 : f32
    %max3A_17 = vector.broadcast %max3A : f32 to vector<1000x128xf32>
    %max3A_18 = arith.maximumf %add3A_16, %max3A_17 : vector<1000x128xf32>
    %swap3A = arith.constant 0 : index
    %swap3A_19 = arith.constant 0 : index
    %swap3A_20 = vector.load %arg4[%swap3A, %swap3A_19] : memref<1000x128xf32, #tpu.memory_space<vmem>>, vector<1000x128xf32>
    tpu.vector_store %arg4[%swap3A, %swap3A_19], %max3A_18 {strides = array<i32>} : memref<1000x128xf32, #tpu.memory_space<vmem>>, vector<1000x128xf32>,
    return
  }
  func.func @transform_0(%arg0: i32) -> (i32, i32, i32) {
    %c0_i32 = arith.constant 0 : i32
    %c0_i32_0 = arith.constant 0 : i32
    %c0_i32_1 = arith.constant 0 : i32
    return %c0_i32, %arg0, %c0_i32_0 : i32, i32, i32
  }
  func.func @transform_1(%arg0: i32) -> (i32, i32) {
    %c0_i32 = arith.constant 0 : i32
    %c0_i32_0 = arith.constant 0 : i32
    return %arg0, %c0_i32 : i32, i32
  }
  func.func @transform_2(%arg0: i32) -> (i32, i32) {
    %c0_i32 = arith.constant 0 : i32
    %c0_i32_0 = arith.constant 0 : i32
    %c0_i32_1 = arith.constant 0 : i32
    return %c0_i32, %c0_i32_0 : i32, i32
  }
  func.func @transform_3(%arg0: i32) -> (i32, i32) {
    %c0_i32 = arith.constant 0 : i32
    %c0_i32_0 = arith.constant 0 : i32
    return %arg0, %c0_i32 : i32, i32
  }
}

module attributes {stable_mosaic.version = 14 : i64} {
  func.func @_fin_out_body(%arg0: i32, %arg1: memref<2x1000x128xf32, #tpu.memory_space<vmem>>, %arg2: memref<1000x128xf32, #tpu.memory_space<vmem>>, %arg3: memref<128x128xf32, #tpu.memory_space<vmem>>, %arg4: memref<128x128xf32, #tpu.memory_space<vmem>>, %arg5: memref<1x128xf32, #tpu.memory_space<vmem>>, %arg6: memref<1000x128xf32, #tpu.memory_space<vmem>>) attributes {dimension_semantics = [#tpu.dimension_semantics<arbitrary>], iteration_bounds = array<i64: 10>, scalar_prefetch = 0 : i64, scratch_operands = 0 : i64, tpu.core_type = #tpu.core_type<tc>, window_params = [{transform_indices = @transform_0, window_bounds = array<i64: 2, 1000, 128>}, {transform_indices = @transform_1, window_bounds = array<i64: 1000, 128>}, {pipeline_mode = #tpu.pipeline_mode<synchronous>, transform_indices = @transform_2, window_bounds = array<i64: 128, 128>}, {pipeline_mode = #tpu.pipeline_mode<synchronous>, transform_indices = @transform_3, window_bounds = array<i64: 128, 128>}, {pipeline_mode = #tpu.pipeline_mode<synchronous>, transform_indices = @transform_4, window_bounds = array<i64: 1, 128>}, {transform_indices = @transform_5, window_bounds = array<i64: 1000, 128>}]} {
    %get3A = arith.constant 0 : index
    %get3A_0 = arith.constant 0 : index
    %get3A_1 = arith.constant 0 : index
    %get3A_2 = vector.load %arg1[%get3A, %get3A_0, %get3A_1] : memref<2x1000x128xf32, #tpu.memory_space<vmem>>, vector<1x1000x128xf32>
    %get3A_3 = vector.shape_cast %get3A_2 : vector<1x1000x128xf32> to vector<1000x128xf32>
    %get3A_4 = arith.constant 1 : index
    %get3A_5 = arith.constant 0 : index
    %get3A_6 = arith.constant 0 : index
    %get3A_7 = vector.load %arg1[%get3A_4, %get3A_5, %get3A_6] : memref<2x1000x128xf32, #tpu.memory_space<vmem>>, vector<1x1000x128xf32>
    %get3A_8 = vector.shape_cast %get3A_7 : vector<1x1000x128xf32> to vector<1000x128xf32>
    %add3A = arith.addf %get3A_3, %get3A_8 : vector<1000x128xf32>
    %get3A_9 = arith.constant 0 : index
    %get3A_10 = arith.constant 0 : index
    %get3A_11 = vector.load %arg3[%get3A_9, %get3A_10] : memref<128x128xf32, #tpu.memory_space<vmem>>, vector<128x128xf32>
    %dot_general3A = arith.constant dense<0.000000e+00> : vector<1000x128xf32>
    %dot_general3A_12 = tpu.matmul %add3A, %get3A_11, %dot_general3A {dimension_numbers = #tpu.dot_dimension_numbers<[1], [0], [0], [1], [0, 0, 1, 1], [], []>, transpose_lhs_hint = false} : vector<1000x128xf32>, vector<128x128xf32>, vector<1000x128xf32> -> vector<1000x128xf32>
    %get3A_13 = arith.constant 0 : index
    %get3A_14 = arith.constant 0 : index
    %get3A_15 = vector.load %arg2[%get3A_13, %get3A_14] : memref<1000x128xf32, #tpu.memory_space<vmem>>, vector<1000x128xf32>
    %add3A_16 = arith.addf %dot_general3A_12, %get3A_15 : vector<1000x128xf32>
    %max3A = arith.constant 0.000000e+00 : f32
    %max3A_17 = vector.broadcast %max3A : f32 to vector<1000x128xf32>
    %max3A_18 = arith.maximumf %add3A_16, %max3A_17 : vector<1000x128xf32>
    %get3A_19 = arith.constant 0 : index
    %get3A_20 = arith.constant 0 : index
    %get3A_21 = vector.load %arg4[%get3A_19, %get3A_20] : memref<128x128xf32, #tpu.memory_space<vmem>>, vector<128x128xf32>
    %dot_general3A_22 = arith.constant dense<0.000000e+00> : vector<1000x128xf32>
    %dot_general3A_23 = tpu.matmul %max3A_18, %get3A_21, %dot_general3A_22 {dimension_numbers = #tpu.dot_dimension_numbers<[1], [0], [0], [1], [0, 0, 1, 1], [], []>, transpose_lhs_hint = false} : vector<1000x128xf32>, vector<128x128xf32>, vector<1000x128xf32> -> vector<1000x128xf32>
    %get3A_24 = arith.constant 0 : index
    %get3A_25 = arith.constant 0 : index
    %get3A_26 = vector.load %arg5[%get3A_24, %get3A_25] : memref<1x128xf32, #tpu.memory_space<vmem>>, vector<1x128xf32>
    %add3A_27 = vector.broadcast %get3A_26 : vector<1x128xf32> to vector<1000x128xf32>
    %add3A_28 = arith.addf %dot_general3A_23, %add3A_27 : vector<1000x128xf32>
    %swap3A = arith.constant 0 : index
    %swap3A_29 = arith.constant 0 : index
    %swap3A_30 = vector.load %arg6[%swap3A, %swap3A_29] : memref<1000x128xf32, #tpu.memory_space<vmem>>, vector<1000x128xf32>
    tpu.vector_store %arg6[%swap3A, %swap3A_29], %add3A_28 {strides = array<i32>} : memref<1000x128xf32, #tpu.memory_space<vmem>>, vector<1000x128xf32>,
    return
  }
  func.func @transform_0(%arg0: i32) -> (i32, i32, i32) {
    %c0_i32 = arith.constant 0 : i32
    %c0_i32_0 = arith.constant 0 : i32
    %c0_i32_1 = arith.constant 0 : i32
    return %c0_i32, %arg0, %c0_i32_0 : i32, i32, i32
  }
  func.func @transform_1(%arg0: i32) -> (i32, i32) {
    %c0_i32 = arith.constant 0 : i32
    %c0_i32_0 = arith.constant 0 : i32
    return %arg0, %c0_i32 : i32, i32
  }
  func.func @transform_2(%arg0: i32) -> (i32, i32) {
    %c0_i32 = arith.constant 0 : i32
    %c0_i32_0 = arith.constant 0 : i32
    %c0_i32_1 = arith.constant 0 : i32
    return %c0_i32, %c0_i32_0 : i32, i32
  }
  func.func @transform_3(%arg0: i32) -> (i32, i32) {
    %c0_i32 = arith.constant 0 : i32
    %c0_i32_0 = arith.constant 0 : i32
    %c0_i32_1 = arith.constant 0 : i32
    return %c0_i32, %c0_i32_0 : i32, i32
  }
  func.func @transform_4(%arg0: i32) -> (i32, i32) {
    %c0_i32 = arith.constant 0 : i32
    %c0_i32_0 = arith.constant 0 : i32
    %c0_i32_1 = arith.constant 0 : i32
    return %c0_i32, %c0_i32_0 : i32, i32
  }
  func.func @transform_5(%arg0: i32) -> (i32, i32) {
    %c0_i32 = arith.constant 0 : i32
    %c0_i32_0 = arith.constant 0 : i32
    return %arg0, %c0_i32 : i32, i32
  }
}

</mosaic_0001>

<sc_bundles>
// kernel: kernel.11.cloned.1.call-start
scs
__scs_entry_jumppad:
0x0: {  	(pc) =	sbr.rel $0x88, $3  }
0x1: {  	(tag) =	ssettag $0x0;
	lr =	simm.s32 $0x1  }
0x2: {  	[smem:$0x3F91] =	sst lr;
	_ =	strace $0xD0000000  }
0x3: {  	_ = 	snop  }
0x4: {  	_ = 	snop  }
0x5: {  	_ = 	snop  }
0x6: {  	_ = 	snop  }
0x7: {  	_ = 	snop  }
__scs_overlays_trampoline_lowered:
0x8: {  	[smem:$0x3FA0] =	sst s0  }
0x9: {  	[smem:$0x3FA1] =	sst s1  }
0xa: {  	[smem:$0x3FA2] =	sst s2  }
0xb: {  	[smem:$0x3FA3] =	sst s3  }
0xc: {  	[smem:$0x3FA4] =	sst s4  }
0xd: {  	[smem:$0x3FA5] =	sst s5  }
0xe: {  	[smem:$0x3FA6] =	sst s6  }
0xf: {  	[smem:$0x3FA7] =	sst s7  }
0x10: {  	[smem:$0x3FA8] =	sst s8  }
0x11: {  	[smem:$0x3FA9] =	sst s9;
	s0 =	simm.s32 @!p0 $0x0  }
0x12: {  	s1 =	sld [smem:$0x3F8F];
	s0 =	simm.s32 @p0 $0x1  }
0x13: {  	[smem:$0x3FAA] =	sst s0;
	s0 =	simm.s32 @!p1 $0x0  }
0x14: {  	s2 =	sld [smem:$0x3F8E];
	s0 =	simm.s32 @p1 $0x1  }
0x15: {  	[smem:$0x3FAB] =	sst s0;
	s0 =	simm.s32 @!p2 $0x0  }
0x16: {  	s3 =	sld [smem:$0x3FDB];
	s0 =	simm.s32 @p2 $0x1  }
0x17: {  	s4 =	simm.s32 $0x1BF5;
	[smem:$0x3FAD] =	sst s0  }
0x18: {  	s0 =	sld [smem:$0x3F90];
	_ =	swait.ge [sflag:s4], $0x0  }
0x19: {  	s7 =	sld [smem:$0x3F91]  }
0x1a: {  	s8 =	sadd.s32 $0xFFFFE003, lr  }
0x1b: {  	s9 =	sadd.s32 $0xFFFFFEF7, lr;
	s5 =	simm.s32 $0xFFFFFFFF;
	p2 =	slt.u32 s8, $0xFFFFF086  }
0x1c: {  	p1 =	slt.u32 s9, $0xF7A;
	s5 =	simm.s32 @!p2 $0x0  }
0x1d: {  	s5 =	simm.s32 @p1 $0x1;
	p0 =	seq.s32 s7, s2  }
0x1e: {  	s7 =	smul.u32 @!p0 $0xF7A, s2;
	p2 =	seq.s32 @!p0 s5, $0x0  }
0x1f: {  	s9 =	smul.u32 $0xF7A, s1;
	s8 =	simm.s32 @!p0 $0x1BF5;
	p2 =	por !p2, p0  }
0x20: {  	[sflag:s8] =	ssyncset.s32 @!p0 $0xFFFFF086;
	s6 =	sadd.s32 @!p0 s3, s7;
	s7 =	simm.s32 @!p0 $0x108  }
0x21: {  	s3 =	sadd.s32 s3, s9;
	s6 =	sadd.s32 @!p0 $0x88, s6;
	s7 =	simm.s32 @p2 $0x1082  }
0x22: {  	[simem:s7], [sflag:s8] =	dma.local @!p0 [hbm:s6], $0xF7A  }
0x23: {  	s9 =	sor.u32 $0xD0000000, s2;
	s6 =	simm.s32 $0x108;
	_ =	swait.ge @!p0 [sflag:s8], $0x0  }
0x24: {  	s3 =	sadd.s32 $0x88, s3;
	s6 =	simm.s32 @!p1 $0x1082;
	[sflag:s4] =	ssyncset.s32 $0xFFFFF086  }
0x25: {  	[simem:s6], [sflag:s4] =	dma.local [hbm:s3], $0xF7A  }
0x26: {  	[smem:$0x3F91] =	sst s1;
	(tag) =	ssettag s2;
	_ =	strace s9  }
0x27: {  	s1 =	sld [smem:$0x3FA1]  }
0x28: {  	s2 =	sld [smem:$0x3FA2]  }
0x29: {  	s4 =	sld [smem:$0x3FA4]  }
0x2a: {  	p0 =	seq.s32 s5, $0x0;
	s5 =	sld [smem:$0x3FA5]  }
0x2b: {  	s6 =	sld [smem:$0x3FA6]  }
0x2c: {  	s7 =	sld [smem:$0x3FA7]  }
0x2d: {  	s3 =	simm.s32 $0x108;
	s8 =	sld [smem:$0x3FA8]  }
0x2e: {  	s3 =	simm.s32 @!p0 $0x1082;
	s9 =	sld [smem:$0x3FA9]  }
0x2f: {  	lr =	sadd.s32 s0, s3;
	s0 =	sld [smem:$0x3FA0]  }
0x30: {  	s3 =	sld [smem:$0x3FA3]  }
0x31: {  	[smem:$0x3FAC] =	sst s10  }
0x32: {  	s10 =	sld [smem:$0x3FAA];
	_ =	sdelay $0x3  }
0x33: {  	p0 =	seq.s32 s10, $0x1;
	s10 =	sld [smem:$0x3FAC];
	_ =	sdelay $0x3  }
0x34: {  	[smem:$0x3FAC] =	sst s10  }
0x35: {  	s10 =	sld [smem:$0x3FAB];
	_ =	sdelay $0x3  }
0x36: {  	p1 =	seq.s32 s10, $0x1;
	s10 =	sld [smem:$0x3FAC];
	_ =	sdelay $0x3  }
0x37: {  	[smem:$0x3FAC] =	sst s10  }
0x38: {  	s10 =	sld [smem:$0x3FAD]  }
0x39: {  	_ = 	snop;
	(pc) =	sbr.ind lr, $3  }
0x3a: {  	_ = 	snop  }
0x3b: {  	_ = 	snop  }
0x3c: {  	p2 =	seq.s32 s10, $0x1;
	s10 =	sld [smem:$0x3FAC]  }
0x3d: {  	_ =	shalt  }
0x3e: {  	_ =	shalt  }
0x3f: {  	_ =	shalt  }
0x40: {  	_ =	shalt  }
0x41: {  	_ =	shalt  }
0x42: {  	_ =	shalt  }
0x43: {  	_ =	shalt  }
0x44: {  	_ =	shalt  }
0x45: {  	_ =	shalt  }
0x46: {  	_ =	shalt  }
0x47: {  	_ =	shalt  }
0x48: {  	_ =	shalt  }
0x49: {  	_ =	shalt  }
0x4a: {  	_ =	shalt  }
0x4b: {  	_ =	shalt  }
0x4c: {  	_ =	shalt  }
0x4d: {  	_ =	shalt  }
0x4e: {  	_ =	shalt  }
0x4f: {  	_ =	shalt  }
0x50: {  	_ =	shalt  }
0x51: {  	_ =	shalt  }
0x52: {  	_ =	shalt  }
0x53: {  	_ =	shalt  }
0x54: {  	_ =	shalt  }
0x55: {  	_ =	shalt  }
0x56: {  	_ =	shalt  }
0x57: {  	_ =	shalt  }
0x58: {  	_ =	shalt  }
0x59: {  	_ =	shalt  }
0x5a: {  	_ =	shalt  }
0x5b: {  	_ =	shalt  }
0x5c: {  	_ =	shalt  }
0x5d: {  	_ =	shalt  }
0x5e: {  	_ =	shalt  }
0x5f: {  	_ =	shalt  }
0x60: {  	_ =	shalt  }
0x61: {  	_ =	shalt  }
0x62: {  	_ =	shalt  }
0x63: {  	_ =	shalt  }
0x64: {  	_ =	shalt  }
0x65: {  	_ =	shalt  }
0x66: {  	_ =	shalt  }
0x67: {  	_ =	shalt  }
0x68: {  	_ =	shalt  }
0x69: {  	_ =	shalt  }
0x6a: {  	_ =	shalt  }
0x6b: {  	_ =	shalt  }
0x6c: {  	_ =	shalt  }
0x6d: {  	_ =	shalt  }
0x6e: {  	_ =	shalt  }
0x6f: {  	_ =	shalt  }
0x70: {  	_ =	shalt  }
0x71: {  	_ =	shalt  }
0x72: {  	_ =	shalt  }
0x73: {  	_ =	shalt  }
0x74: {  	_ =	shalt  }
0x75: {  	_ =	shalt  }
0x76: {  	_ =	shalt  }
0x77: {  	_ =	shalt  }
0x78: {  	_ =	shalt  }
0x79: {  	_ =	shalt  }
0x7a: {  	_ =	shalt  }
0x7b: {  	_ =	shalt  }
0x7c: {  	_ =	shalt  }
0x7d: {  	_ =	shalt  }
0x7e: {  	_ =	shalt  }
0x7f: {  	_ =	shalt  }
0x80: {  	_ =	shalt  }
0x81: {  	_ =	shalt  }
0x82: {  	_ =	shalt  }
0x83: {  	_ =	shalt  }
0x84: {  	_ =	shalt  }
0x85: {  	_ =	shalt  }
0x86: {  	_ =	shalt  }
0x87: {  	_ =	shalt  }
.Lfunc_end0:
.L_simem_size_0:
called_computation.1_lowered:
.L_overlay_start_0:
0x88: {  	s2 =	sld [smem:$0x3FD9]  }
0x89: {  	s3 =	sld [smem:$0x3FFE];
	_ =	sdelay $0x1  }
0x8a: {  	s1 =	srdreg.scid  }
0x8b: {  	s0 =	sand.u32 $0x1, s1  }
0x8c: {  	s17 =	sshll.u32 s0, $0xA;
	s2 =	sadd.s32 s3, s2  }
0x8d: {  	s2 =	sadd.s32 s2, s17  }
0x8e: {  	[smem:$0x3FB8] =	sst s2  }
0x8f: {  	_ = 	snop  }
0x90: {  	s2 =	sld [smem:$0x3FD0];
	(tm) =	ssettm $0x1  }
0x91: {  	s18 =	sld [smem:$0x3FFB];
	_ =	sdelay $0x3  }
0x92: {  	_ =	strace s18  }
0x93: {  	s3 =	sld [smem:$0x3FFC];
	_ =	sdelay $0x3  }
0x94: {  	_ =	strace s3  }
0x95: {  	s3 =	sld [smem:$0x3FFD];
	_ =	sdelay $0x3  }
0x96: {  	_ =	strace s3  }
0x97: {  	_ =	strace $0x8FFFFFFF  }
0x98: {  	s19 =	sld [smem:$0x3FDB];
	_ =	sdelay $0x1  }
0x99: {  	s4 =	simm.s32 $_scs_section_size  }
0x9a: {  	s5 =	simm.s32 $_size__tile_overlayer_lowered;
	s6 =	simm.s32 $_tile_overlayer_lowered  }
0x9b: {  	s22 =	simm.s32 $0x1BFF;
	s21 =	sshll.u32 s6, $0x1;
	s3 =	sadd.s32 s4, s19  }
0x9c: {  	s7 =	simm.s32 $0x0;
	s20 =	sshll.u32 s5, $0x1;
	s5 =	sadd.s32 s21, s3  }
0x9d: {  	[timem:s7], [sflag:s22] =	dma.local [hbm:s5], s20  }
0x9e: {  	_ =	swait.ge [sflag:s22], s20  }
0x9f: {  	s4 =	ssub.s32 $0x0, s20;
	[sflag:s22] =	ssyncset.done $0x0  }
0xa0: {  	[sflag:s22] =	ssyncadd.s32 s4;
	_ =	sdelay $0x1  }
0xa1: {  	s23 =	simm.s32 $0x1B8B  }
0xa2: {  	_ =	swait.ge [sflag:s23], $0x1  }
0xa3: {  	[sflag:s23] =	ssyncset.done $0x0  }
0xa4: {  	s25 =	simm.s32 $0x1B8E;
	s24 =	sld [smem:$0x3FFE];
	[sflag:s23] =	ssyncadd.s32 $0xFFFFFFFF  }
0xa5: {  	s26 =	simm.s32 $execute0_lowered;
	[smem:$0x3FD2] =	sst s25  }
0xa6: {  	s5 =	sshll.u32 s26, $0x1;
	_ =	strace $0x80000049;
	[dreg:$0x1] =	wrdreg $0xFFFFFFFF  }
0xa7: {  	s28 =	simm.s32 $_size_execute0_lowered;
	s3 =	sadd.s32 s3, s5;
	[dreg:$0x0] =	wrdreg $0x0  }
0xa8: {  	s5 =	sshll.u32 s28, $0x1;
	[dreg:$0x2] =	wrdreg s3  }
0xa9: {  	[dreg:$0x3] =	wrdreg s5  }
0xaa: {  	[dreg:$0x4] =	wrdreg $0xC0  }
0xab: {  	_ =	task [dreg:s7], $0x5FFFF  }
0xac: {  	[dreg:$0x1] =	wrdreg $0xFFFFFFFF  }
0xad: {  	[dreg:$0x0] =	wrdreg $0x60  }
0xae: {  	[dreg:$0x2] =	wrdreg s2  }
0xaf: {  	[dreg:$0x3] =	wrdreg s24  }
0xb0: {  	[dreg:$0x4] =	wrdreg $0xA8000  }
0xb1: {  	[dreg:$0x5] =	wrdreg $0x9  }
0xb2: {  	_ =	task.clear_ibuf [dreg:s7], $0x6FFFF;
	_ =	strace $0x90000049  }
0xb3: {  	s29 =	simm.s32 $0x9;
	_ =	strace $0x8000004B  }
0xb4: {  	_ =	swait.ge [sflag:s29], $0x1  }
0xb5: {  	[sflag:s29] =	ssyncadd.s32 $0xFFFFFFFF  }
0xb6: {  	_ =	strace $0x9000004B  }
0xb7: {  	_ =	sfence  }
0xb8: {  	s30 =	sld [smem:$0x0];
	_ =	sdelay $0x2  }
0xb9: {  	s31 =	sshll.u32 s1, $0xD;
	s1 =	sshrl.u32 s1, $0x2  }
0xba: {  	s3 =	sand.u32 $0x4000, s31;
	s1 =	sadd.s32 s1, s30  }
0xbb: {  	s0 =	sor.u32 s3, s0;
	s1 =	sshll.u32 s1, $0x11  }
0xbc: {  	s0 =	sor.u32 s1, s0  }
0xbd: {  	s0 =	sadd.s32 $0x8F2B, s0  }
0xbe: {  	[sflag:s0] =	ssyncadd.remote.s32 $0x1  }
0xbf: {  	_ =	sfence.sel $0xFFFF  }
0xc0: {  	[dreg:$0x0] =	wrdreg $0xFFFFFFFF;
	(pc) =	sbr.abs _section_cstart, $3  }
0xc1: {  	[dreg:$0x1] =	wrdreg $0xFFFFFFFF  }
0xc2: {  	_ =	task.clear_ibuf [dreg:s7], $0x2FFFF;
	_ =	strace $0x9FFFFFFF  }
0xc3: {  	(tm) =	ssettm $0x7FFFFFFF  }
tec
execute0_lowered:
.L_overlay_start_1:
0x0: {  	(tag) =	ssettag $0x1  }
0x1: {  	s1 =	rddreg [dreg:$0x0]  }
0x2: {  	s0 =	rddreg [dreg:$0x1]  }
0x3: {  	s2 =	rddreg [dreg:$0x2]  }
0x4: {  	s3 =	simm.s32 $0x0;
	s4 =	srdreg.scid;
	s11 =	stileid.u32  }
0x5: {  	s28 =	simm.s32 $0x80;
	s29 =	simm.s32 $0x1;
	s30 =	simm.s32 $0x6800  }
0x6: {  	s31 =	simm.s32 $0x2;
	[smem:$0x7FF] =	sst s3;
	s4 =	sand.u32 $0x1, s4  }
0x7: {  	s6 =	sadd.s32 $0x2C00, s0;
	s8 =	sadd.s32 $0xCC00, s0;
	s14 =	smul.u32 $0x14000, s11  }
0x8: {  	s0 =	sadd.s32 $0x16C00, s0;
	s10 =	smul.u32 $0x50000, s11;
	_ =	strace $0x8000004A  }
0x9: {  	s7 =	smul.u32 $0x140000, s4;
	s5 =	ssub.s32 $0x2, s4;
	s4 =	sshll.u32 s4, $0x4  }
0xa: {  	s9 =	sshrl.u32 s5, $0x1;
	s4 =	sor.u32 s11, s4;
	s10 =	sshrl.u32 s10, $0x2  }
0xb: {  	s13 =	sadd.s32 $0x4000, s14;
	s15 =	sadd.s32 $0x8000, s14;
	s17 =	sadd.s32 $0xC000, s14  }
0xc: {  	s9 =	ssub.s32 s5, s9;
	s18 =	sadd.s32 s7, s14;
	s5 =	sadd.s32 s10, s2  }
0xd: {  	s4 =	smul.u32 $0x2800, s4;
	s12 =	sadd.s32 s7, s13;
	s16 =	sadd.s32 s7, s15  }
0xe: {  	s24 =	sadd.s32 s7, s17;
	s19 =	sshrl.u32 s18, $0x3;
	s9 =	smax.u32 s9, $0x1  }
0xf: {  	s21 =	sadd.s32 $0x4000, s5;
	s22 =	sadd.s32 $0x8000, s5;
	s10 =	sadd.s32 $0xC000, s5  }
0x10: {  	s11 =	sadd.s32 $0x10000, s5;
	s12 =	sshrl.u32 s12, $0x3;
	s23 =	sshrl.u32 s16, $0x3  }
0x11: {  	s16 =	sshrl.u32 s24, $0x3;
	s18 =	sadd.s32 $0x10000, s14;
	[dreg:$0x5] =	wrdreg s9  }
0x12: {  	s24 =	sadd.s32 s17, s2;
	s20 =	sadd.s32 s0, s19;
	[dreg:$0x6] =	wrdreg s21  }
0x13: {  	[dreg:$0x7] =	wrdreg s22;
	s12 =	sadd.s32 s0, s12;
	s22 =	sadd.s32 s13, s2  }
0x14: {  	s13 =	sadd.s32 s0, s23;
	s23 =	sadd.s32 s15, s2;
	s14 =	sadd.s32 s0, s16  }
0x15: {  	s7 =	sadd.s32 s7, s18;
	s4 =	sshrl.u32 s4, $0x3;
	s25 =	sadd.s32 s18, s2  }
0x16: {  	s21 =	simm.s32 $0x3;
	s24 =	sshrl.u32 s24, $0x3;
	[dreg:$0x4] =	wrdreg s20  }
0x17: {  	s7 =	sshrl.u32 s7, $0x3;
	s26 =	sadd.s32 $0x280, s4;
	s16 =	sadd.s32 s6, s4  }
0x18: {  	s17 =	sadd.s32 s8, s4;
	s20 =	simm.s32 $0x2800;
	s22 =	sshrl.u32 s22, $0x3  }
0x19: {  	s23 =	sshrl.u32 s23, $0x3;
	s25 =	sshrl.u32 s25, $0x3;
	s4 =	simm.s32 $0x2700  }
0x1a: {  	s15 =	sadd.s32 s0, s7;
	s18 =	sadd.s32 s6, s26;
	s19 =	sadd.s32 s8, s26  }
0x1b: {  	v0 =	vimm.f32 $0.0e+00;
	s26 =	simm.s32 $0x1400;
	s0 =	simm.s32 $0x1380;
	s6 =	simm.s32 $0x2780  }
.LBB2_1:
0x1c: {  	s7 =	simm.s32 $0x0;
	s8 =	simm.s32 $0x200  }
.LBB2_2:
0x1d: {  	p0 =	sne.s32 s8, $0xFE00;
	[tilespmem:s7+$0x2870] =	vst v0  }
0x1e: {  	[tilespmem:s7+$0x2800] =	vst v0  }
0x1f: {  	[tilespmem:s7+$0x2810] =	vst v0  }
.Ltmp0:
0x20: {  	[tilespmem:s7+$0x2820] =	vst v0;
	(pc) =	sbr.rel @p0 .LBB2_2-.Ltmp0, $4  }
0x21: {  	[tilespmem:s7+$0x2830] =	vst v0  }
0x22: {  	[tilespmem:s7+$0x2840] =	vst v0  }
0x23: {  	[tilespmem:s7+$0x2850] =	vst v0  }
0x24: {  	[tilespmem:s7+$0x2860] =	vst v0;
	s7 =	sshra.s32 s8, $0x2;
	s8 =	sadd.s32 $0x200, s8  }
0x25: {  	[tilespmem:s7+$0x2870] =	vst v0  }
0x26: {  	[tilespmem:s7+$0x2800] =	vst v0  }
0x27: {  	[tilespmem:s7+$0x2810] =	vst v0  }
0x28: {  	[tilespmem:s7+$0x2820] =	vst v0  }
0x29: {  	[tilespmem:s7+$0x2830] =	vst v0  }
0x2a: {  	[tilespmem:s7+$0x2840] =	vst v0  }
0x2b: {  	[tilespmem:s7+$0x2850] =	vst v0  }
0x2c: {  	[tilespmem:s7+$0x2860] =	vst v0  }
0x2d: {  	[spmem:s5] =	stream.linear.scatter [tilespmem:s20], [sflag:$0x3], $0x4000, $0x38;
	[tilespmem:$0x1E800] =	vst v63  }
0x2e: {  	_ =	swait.ge [sflag:s21], $0x4000  }
0x2f: {  	[sflag:s21] =	ssyncset.done $0x0  }
0x30: {  	s9 =	rddreg [dreg:$0x6];
	[sflag:s21] =	ssyncadd.s32 $0xFFFFC000  }
0x31: {  	[spmem:s9] =	stream.linear.scatter [tilespmem:s20], [sflag:$0x3], $0x4000, $0x38;
	[tilespmem:$0x1E800] =	vst v63  }
0x32: {  	_ =	swait.ge [sflag:s21], $0x4000  }
0x33: {  	[sflag:s21] =	ssyncset.done $0x0  }
0x34: {  	s8 =	rddreg [dreg:$0x7];
	[sflag:s21] =	ssyncadd.s32 $0xFFFFC000  }
0x35: {  	[spmem:s8] =	stream.linear.scatter [tilespmem:s20], [sflag:$0x3], $0x4000, $0x38;
	[tilespmem:$0x1E800] =	vst v63  }
0x36: {  	_ =	swait.ge [sflag:s21], $0x4000  }
0x37: {  	[sflag:s21] =	ssyncset.done $0x0  }
0x38: {  	[sflag:s21] =	ssyncadd.s32 $0xFFFFC000  }
0x39: {  	[spmem:s10] =	stream.linear.scatter [tilespmem:s20], [sflag:$0x3], $0x4000, $0x38;
	[tilespmem:$0x1E800] =	vst v63  }
0x3a: {  	_ =	swait.ge [sflag:s21], $0x4000  }
0x3b: {  	[sflag:s21] =	ssyncset.done $0x0  }
0x3c: {  	[sflag:s21] =	ssyncadd.s32 $0xFFFFC000  }
0x3d: {  	[spmem:s11] =	stream.linear.scatter [tilespmem:s20], [sflag:$0x3], $0x4000, $0x38;
	[tilespmem:$0x1E800] =	vst v63  }
0x3e: {  	_ =	swait.ge [sflag:s21], $0x4000  }
0x3f: {  	[sflag:s21] =	ssyncset.done $0x0  }
0x40: {  	[sflag:s21] =	ssyncadd.s32 $0xFFFFC000  }
0x41: {  	s9 =	simm.s32 $0x0;
	[bflag:$0x0] =	sbarrier.arrive $0xFFFF  }
0x42: {  	[tilespmem:s9], [sflag:$0x3] =	stream.linear.gather [hbm4b:s16+s9], $0x1400, $0x38;
	[tilespmem:$0x1E800] =	vst v63  }
0x43: {  	_ =	swait.ge [sflag:s21], $0x1400  }
0x44: {  	[sflag:s21] =	ssyncset.done $0x0  }
0x45: {  	[sflag:s21] =	ssyncadd.s32 $0xFFFFEC00  }
0x46: {  	[tilespmem:s26], [sflag:$0x3] =	stream.linear.gather [hbm4b:s17+s9], $0x1400, $0x38;
	[tilespmem:$0x1E800] =	vst v63  }
0x47: {  	_ =	swait.ge [sflag:s21], $0x1400  }
0x48: {  	[sflag:s21] =	ssyncset.done $0x0  }
0x49: {  	[sflag:s21] =	ssyncadd.s32 $0xFFFFEC00  }
0x4a: {  	[tilespmem:s20], [sflag:$0x1] =	stream.indirect.gather [hbm4b:s1+s28], $0x80, s9, s28, $0xb8;
	[tilespmem:$0x1E800] =	vst v63  }
0x4b: {  	_ =	swait.ge [sflag:s29], $0x4000  }
0x4c: {  	[sflag:s29] =	ssyncset.done $0x0  }
0x4d: {  	s8 =	simm.s32 $0x80;
	[sflag:s29] =	ssyncadd.s32 $0xFFFFC000  }
0x4e: {  	[tilespmem:s30], [sflag:$0x2] =	stream.indirect.gather [hbm4b:s1+s28], $0x80, s8, s28, $0xb8;
	[tilespmem:$0x1E800] =	vst v63  }
0x4f: {  	s9 =	simm.s32 $0x1400  }
0x50: {  	[spmem:s2] =	stream.indirect.scatter.add.f32 [tilespmem:s20], [sflag:$0x3], $0x80, s9, s28, $0xb8;
	[tilespmem:$0x1E800] =	vst v63  }
0x51: {  	_ =	swait.ge [sflag:s21], $0x4000  }
0x52: {  	[sflag:s21] =	ssyncset.done $0x0  }
0x53: {  	[sflag:s21] =	ssyncadd.s32 $0xFFFFC000  }
0x54: {  	_ =	swait.ge [sflag:s31], $0x4000  }
0x55: {  	[sflag:s31] =	ssyncset.done $0x0  }
0x56: {  	s8 =	simm.s32 $0x100;
	[sflag:s31] =	ssyncadd.s32 $0xFFFFC000  }
0x57: {  	[tilespmem:s20], [sflag:$0x1] =	stream.indirect.gather [hbm4b:s1+s28], $0x80, s8, s28, $0xb8;
	[tilespmem:$0x1E800] =	vst v63  }
0x58: {  	s9 =	simm.s32 $0x1480  }
0x59: {  	[spmem:s2] =	stream.indirect.scatter.add.f32 [tilespmem:s30], [sflag:$0x3], $0x80, s9, s28, $0xb8;
	[tilespmem:$0x1E800] =	vst v63  }
0x5a: {  	_ =	swait.ge [sflag:s21], $0x4000  }
0x5b: {  	s7 =	simm.s32 $0x400;
	[sflag:s21] =	ssyncset.done $0x0  }
.LBB2_4:
0x5c: {  	p0 =	sne.s32 s7, $0x4800  }
0x5d: {  	[sflag:s21] =	ssyncadd.s32 $0xFFFFC000;
	s8 =	smov.u32 s7;
	s7 =	sadd.s32 $0x400, s7  }
0x5e: {  	_ = 	snop  }
0x5f: {  	_ =	swait.ge [sflag:s29], $0x4000  }
0x60: {  	s8 =	sshra.s32 s8, $0x2;
	[sflag:s29] =	ssyncset.done $0x0  }
0x61: {  	s9 =	sadd.s32 $0x80, s8;
	[sflag:s29] =	ssyncadd.s32 $0xFFFFC000  }
0x62: {  	[tilespmem:s30], [sflag:$0x2] =	stream.indirect.gather [hbm4b:s1+s28], $0x80, s9, s28, $0xb8;
	[tilespmem:$0x1E800] =	vst v63  }
0x63: {  	s9 =	sadd.s32 $0x1400, s8  }
0x64: {  	[spmem:s2] =	stream.indirect.scatter.add.f32 [tilespmem:s20], [sflag:$0x3], $0x80, s9, s28, $0xb8;
	[tilespmem:$0x1E800] =	vst v63  }
0x65: {  	_ =	swait.ge [sflag:s21], $0x4000  }
0x66: {  	[sflag:s21] =	ssyncset.done $0x0  }
0x67: {  	[sflag:s21] =	ssyncadd.s32 $0xFFFFC000  }
0x68: {  	_ =	swait.ge [sflag:s31], $0x4000  }
0x69: {  	[sflag:s31] =	ssyncset.done $0x0  }
0x6a: {  	s9 =	sadd.s32 $0x100, s8;
	[sflag:s31] =	ssyncadd.s32 $0xFFFFC000  }
0x6b: {  	[tilespmem:s20], [sflag:$0x1] =	stream.indirect.gather [hbm4b:s1+s28], $0x80, s9, s28, $0xb8;
	[tilespmem:$0x1E800] =	vst v63  }
.Ltmp1:
0x6c: {  	_ = 	snop;
	(pc) =	sbr.rel @p0 .LBB2_4-.Ltmp1, $4  }
0x6d: {  	s8 =	sadd.s32 $0x1480, s8  }
0x6e: {  	[spmem:s2] =	stream.indirect.scatter.add.f32 [tilespmem:s30], [sflag:$0x3], $0x80, s8, s28, $0xb8;
	[tilespmem:$0x1E800] =	vst v63  }
0x6f: {  	_ =	swait.ge [sflag:s21], $0x4000  }
0x70: {  	[sflag:s21] =	ssyncset.done $0x0  }
0x71: {  	[sflag:s21] =	ssyncadd.s32 $0xFFFFC000  }
0x72: {  	_ =	swait.ge [sflag:s29], $0x4000  }
0x73: {  	[sflag:s29] =	ssyncset.done $0x0  }
0x74: {  	[sflag:s29] =	ssyncadd.s32 $0xFFFFC000  }
0x75: {  	[tilespmem:s30], [sflag:$0x2] =	stream.indirect.gather [hbm4b:s1+s28], $0x80, s0, s28, $0xb8;
	[tilespmem:$0x1E800] =	vst v63  }
0x76: {  	_ = 	snop  }
0x77: {  	[spmem:s2] =	stream.indirect.scatter.add.f32 [tilespmem:s20], [sflag:$0x3], $0x80, s4, s28, $0xb8;
	[tilespmem:$0x1E800] =	vst v63  }
0x78: {  	_ =	swait.ge [sflag:s21], $0x4000  }
0x79: {  	[sflag:s21] =	ssyncset.done $0x0  }
0x7a: {  	[sflag:s21] =	ssyncadd.s32 $0xFFFFC000  }
0x7b: {  	_ =	swait.ge [sflag:s31], $0x4000  }
0x7c: {  	[sflag:s31] =	ssyncset.done $0x0  }
0x7d: {  	[sflag:s31] =	ssyncadd.s32 $0xFFFFC000  }
0x7e: {  	[spmem:s2] =	stream.indirect.scatter.add.f32 [tilespmem:s30], [sflag:$0x3], $0x80, s6, s28, $0xb8;
	[tilespmem:$0x1E800] =	vst v63  }
0x7f: {  	_ =	swait.ge [sflag:s21], $0x4000  }
0x80: {  	[sflag:s21] =	ssyncset.done $0x0  }
0x81: {  	s7 =	simm.s32 $0x0;
	[sflag:s21] =	ssyncadd.s32 $0xFFFFC000  }
0x82: {  	[tilespmem:s7], [sflag:$0x3] =	stream.linear.gather [hbm4b:s18+s7], $0x1400, $0x38;
	[tilespmem:$0x1E800] =	vst v63  }
0x83: {  	_ =	swait.ge [sflag:s21], $0x1400  }
0x84: {  	[sflag:s21] =	ssyncset.done $0x0  }
0x85: {  	[sflag:s21] =	ssyncadd.s32 $0xFFFFEC00  }
0x86: {  	[tilespmem:s26], [sflag:$0x3] =	stream.linear.gather [hbm4b:s19+s7], $0x1400, $0x38;
	[tilespmem:$0x1E800] =	vst v63  }
0x87: {  	_ =	swait.ge [sflag:s21], $0x1400  }
0x88: {  	[sflag:s21] =	ssyncset.done $0x0  }
0x89: {  	[sflag:s21] =	ssyncadd.s32 $0xFFFFEC00  }
0x8a: {  	[tilespmem:s20], [sflag:$0x1] =	stream.indirect.gather [hbm4b:s1+s28], $0x80, s7, s28, $0xb8;
	[tilespmem:$0x1E800] =	vst v63  }
0x8b: {  	_ =	swait.ge [sflag:s29], $0x4000  }
0x8c: {  	[sflag:s29] =	ssyncset.done $0x0  }
0x8d: {  	s8 =	simm.s32 $0x80;
	[sflag:s29] =	ssyncadd.s32 $0xFFFFC000  }
0x8e: {  	[tilespmem:s30], [sflag:$0x2] =	stream.indirect.gather [hbm4b:s1+s28], $0x80, s8, s28, $0xb8;
	[tilespmem:$0x1E800] =	vst v63  }
0x8f: {  	s9 =	simm.s32 $0x1400  }
0x90: {  	[spmem:s2] =	stream.indirect.scatter.add.f32 [tilespmem:s20], [sflag:$0x3], $0x80, s9, s28, $0xb8;
	[tilespmem:$0x1E800] =	vst v63  }
0x91: {  	_ =	swait.ge [sflag:s21], $0x4000  }
0x92: {  	[sflag:s21] =	ssyncset.done $0x0  }
0x93: {  	[sflag:s21] =	ssyncadd.s32 $0xFFFFC000  }
0x94: {  	_ =	swait.ge [sflag:s31], $0x4000  }
0x95: {  	[sflag:s31] =	ssyncset.done $0x0  }
0x96: {  	s8 =	simm.s32 $0x100;
	[sflag:s31] =	ssyncadd.s32 $0xFFFFC000  }
0x97: {  	[tilespmem:s20], [sflag:$0x1] =	stream.indirect.gather [hbm4b:s1+s28], $0x80, s8, s28, $0xb8;
	[tilespmem:$0x1E800] =	vst v63  }
0x98: {  	s9 =	simm.s32 $0x1480  }
0x99: {  	[spmem:s2] =	stream.indirect.scatter.add.f32 [tilespmem:s30], [sflag:$0x3], $0x80, s9, s28, $0xb8;
	[tilespmem:$0x1E800] =	vst v63  }
0x9a: {  	_ =	swait.ge [sflag:s21], $0x4000  }
0x9b: {  	s7 =	simm.s32 $0x400;
	[sflag:s21] =	ssyncset.done $0x0  }
.LBB2_6:
0x9c: {  	p0 =	sne.s32 s7, $0x4800  }
0x9d: {  	[sflag:s21] =	ssyncadd.s32 $0xFFFFC000;
	s8 =	smov.u32 s7;
	s7 =	sadd.s32 $0x400, s7  }
0x9e: {  	_ = 	snop  }
0x9f: {  	_ =	swait.ge [sflag:s29], $0x4000  }
0xa0: {  	s8 =	sshra.s32 s8, $0x2;
	[sflag:s29] =	ssyncset.done $0x0  }
0xa1: {  	s9 =	sadd.s32 $0x80, s8;
	[sflag:s29] =	ssyncadd.s32 $0xFFFFC000  }
0xa2: {  	[tilespmem:s30], [sflag:$0x2] =	stream.indirect.gather [hbm4b:s1+s28], $0x80, s9, s28, $0xb8;
	[tilespmem:$0x1E800] =	vst v63  }
0xa3: {  	s9 =	sadd.s32 $0x1400, s8  }
0xa4: {  	[spmem:s2] =	stream.indirect.scatter.add.f32 [tilespmem:s20], [sflag:$0x3], $0x80, s9, s28, $0xb8;
	[tilespmem:$0x1E800] =	vst v63  }
0xa5: {  	_ =	swait.ge [sflag:s21], $0x4000  }
0xa6: {  	[sflag:s21] =	ssyncset.done $0x0  }
0xa7: {  	[sflag:s21] =	ssyncadd.s32 $0xFFFFC000  }
0xa8: {  	_ =	swait.ge [sflag:s31], $0x4000  }
0xa9: {  	[sflag:s31] =	ssyncset.done $0x0  }
0xaa: {  	s9 =	sadd.s32 $0x100, s8;
	[sflag:s31] =	ssyncadd.s32 $0xFFFFC000  }
0xab: {  	[tilespmem:s20], [sflag:$0x1] =	stream.indirect.gather [hbm4b:s1+s28], $0x80, s9, s28, $0xb8;
	[tilespmem:$0x1E800] =	vst v63  }
.Ltmp2:
0xac: {  	_ = 	snop;
	(pc) =	sbr.rel @p0 .LBB2_6-.Ltmp2, $4  }
0xad: {  	s8 =	sadd.s32 $0x1480, s8  }
0xae: {  	[spmem:s2] =	stream.indirect.scatter.add.f32 [tilespmem:s30], [sflag:$0x3], $0x80, s8, s28, $0xb8;
	[tilespmem:$0x1E800] =	vst v63  }
0xaf: {  	_ =	swait.ge [sflag:s21], $0x4000  }
0xb0: {  	[sflag:s21] =	ssyncset.done $0x0  }
0xb1: {  	[sflag:s21] =	ssyncadd.s32 $0xFFFFC000  }
0xb2: {  	_ =	swait.ge [sflag:s29], $0x4000  }
0xb3: {  	[sflag:s29] =	ssyncset.done $0x0  }
0xb4: {  	[sflag:s29] =	ssyncadd.s32 $0xFFFFC000  }
0xb5: {  	[tilespmem:s30], [sflag:$0x2] =	stream.indirect.gather [hbm4b:s1+s28], $0x80, s0, s28, $0xb8;
	[tilespmem:$0x1E800] =	vst v63  }
0xb6: {  	_ = 	snop  }
0xb7: {  	[spmem:s2] =	stream.indirect.scatter.add.f32 [tilespmem:s20], [sflag:$0x3], $0x80, s4, s28, $0xb8;
	[tilespmem:$0x1E800] =	vst v63  }
0xb8: {  	_ =	swait.ge [sflag:s21], $0x4000  }
0xb9: {  	[sflag:s21] =	ssyncset.done $0x0  }
0xba: {  	[sflag:s21] =	ssyncadd.s32 $0xFFFFC000  }
0xbb: {  	_ =	swait.ge [sflag:s31], $0x4000  }
0xbc: {  	[sflag:s31] =	ssyncset.done $0x0  }
0xbd: {  	[sflag:s31] =	ssyncadd.s32 $0xFFFFC000  }
0xbe: {  	[spmem:s2] =	stream.indirect.scatter.add.f32 [tilespmem:s30], [sflag:$0x3], $0x80, s6, s28, $0xb8;
	[tilespmem:$0x1E800] =	vst v63  }
0xbf: {  	_ =	swait.ge [sflag:s21], $0x4000  }
0xc0: {  	[sflag:s21] =	ssyncset.done $0x0  }
0xc1: {  	s7 =	stileid.u32;
	[sflag:s21] =	ssyncadd.s32 $0xFFFFC000  }
0xc2: {  	s7 =	sshll.u32 s7, $0x6;
	[bflag:$0x0] =	sbarrier.arrive $0xFFFF  }
0xc3: {  	s8 =	sshrl.u32 s5, $0x3;
	s7 =	sor.u32 $0x1C03, s7;
	s9 =	rddreg [dreg:$0x4]  }
0xc4: {  	[hbm:s9], [sflag:s7] =	dma.local [spmem:s8], $0x800  }
0xc5: {  	_ =	swait.ge [sflag:s21], $0x800  }
0xc6: {  	[sflag:s21] =	ssyncset.done $0x0  }
0xc7: {  	[sflag:s21] =	ssyncadd.s32 $0xFFFFF800  }
0xc8: {  	[hbm:s12], [sflag:s7] =	dma.local [spmem:s22], $0x800  }
0xc9: {  	_ =	swait.ge [sflag:s21], $0x800  }
0xca: {  	[sflag:s21] =	ssyncset.done $0x0  }
0xcb: {  	[sflag:s21] =	ssyncadd.s32 $0xFFFFF800  }
0xcc: {  	[hbm:s13], [sflag:s7] =	dma.local [spmem:s23], $0x800  }
0xcd: {  	_ =	swait.ge [sflag:s21], $0x800  }
0xce: {  	[sflag:s21] =	ssyncset.done $0x0  }
0xcf: {  	[sflag:s21] =	ssyncadd.s32 $0xFFFFF800  }
0xd0: {  	[hbm:s14], [sflag:s7] =	dma.local [spmem:s24], $0x800  }
0xd1: {  	_ =	swait.ge [sflag:s21], $0x800  }
0xd2: {  	[sflag:s21] =	ssyncset.done $0x0  }
0xd3: {  	[sflag:s21] =	ssyncadd.s32 $0xFFFFF800  }
0xd4: {  	[hbm:s15], [sflag:s7] =	dma.local [spmem:s25], $0x800  }
0xd5: {  	_ =	swait.ge [sflag:s21], $0x800  }
0xd6: {  	s3 =	sadd.s32 $0x1, s3;
	s9 =	rddreg [dreg:$0x5]  }
0xd7: {  	p0 =	sne.s32 s3, s9  }
.Ltmp3:
0xd8: {  	_ = 	snop;
	(pc) =	sbr.rel @p0 .LBB2_1-.Ltmp3, $3  }
0xd9: {  	_ =	sdelay $0x1  }
0xda: {  	[sflag:s21] =	ssyncset.done $0x0  }
0xdb: {  	[sflag:s21] =	ssyncadd.s32 $0xFFFFF800  }
0xdc: {  	_ =	sfence.sel $0x180000  }
0xdd: {  	[bflag:$0x0] =	sbarrier.arrive $0xFFFF  }
0xde: {  	_ =	strace $0x9000004A  }
0xdf: {  	s0 =	stileid.u32;
	[bflag:$0x2] =	sbarrier.arrive $0xFFFF  }
0xe0: {  	p0 =	sne.s32 s0, $0x0;
	s0 =	rddreg [dreg:$0x3]  }
0xe1: {  	s0 =	sadd.s32 @!p0 $0x100000, s0  }
0xe2: {  	[sflag:s0] =	ssyncadd.tile.s32 @!p0 $0x1;
	_ =	shalt  }
.Lfunc_end2:
_tile_overlayer_lowered:
.L_overlay_start_2:
0xe3: {  	(tag) =	ssettag $0x2  }
0xe4: {  	s0 =	rddreg [dreg:$0x0];
	s2 =	stileid.u32  }
0xe5: {  	s1 =	rddreg [dreg:$0x1];
	p0 =	sne.s32 s2, $0x0  }
0xe6: {  	s3 =	rddreg [dreg:$0x2];
	[bflag:$0x3] =	sbarrier.arrive $0xFFFF;
	s2 =	simm.s32 @!p0 $0x1C03  }
0xe7: {  	[timem:s3], [sflag:s2] =	dma.local @!p0 [hbm:s0], s1  }
0xe8: {  	s0 =	simm.s32 @!p0 $0x3  }
0xe9: {  	_ =	swait.ge @!p0 [sflag:s0], s1  }
0xea: {  	s1 =	ssub.s32 @!p0 $0x0, s1;
	[sflag:s0] =	ssyncset.done @!p0 $0x0  }
0xeb: {  	[sflag:s0] =	ssyncadd.s32 @!p0 s1  }
0xec: {  	[bflag:$0x3] =	sbarrier.arrive $0xFFFF  }
0xed: {  	_ =	shalt  }

// kernel: kernel.8.cloned.1.call-start
scs
__scs_entry_jumppad:
0x0: {  	(pc) =	sbr.rel $0x88, $3  }
0x1: {  	(tag) =	ssettag $0x0;
	lr =	simm.s32 $0x1  }
0x2: {  	[smem:$0x3F91] =	sst lr;
	_ =	strace $0xD0000000  }
0x3: {  	_ = 	snop  }
0x4: {  	_ = 	snop  }
0x5: {  	_ = 	snop  }
0x6: {  	_ = 	snop  }
0x7: {  	_ = 	snop  }
__scs_overlays_trampoline_lowered:
0x8: {  	[smem:$0x3FA0] =	sst s0  }
0x9: {  	[smem:$0x3FA1] =	sst s1  }
0xa: {  	[smem:$0x3FA2] =	sst s2  }
0xb: {  	[smem:$0x3FA3] =	sst s3  }
0xc: {  	[smem:$0x3FA4] =	sst s4  }
0xd: {  	[smem:$0x3FA5] =	sst s5  }
0xe: {  	[smem:$0x3FA6] =	sst s6  }
0xf: {  	[smem:$0x3FA7] =	sst s7  }
0x10: {  	[smem:$0x3FA8] =	sst s8  }
0x11: {  	[smem:$0x3FA9] =	sst s9;
	s0 =	simm.s32 @!p0 $0x0  }
0x12: {  	s1 =	sld [smem:$0x3F8F];
	s0 =	simm.s32 @p0 $0x1  }
0x13: {  	[smem:$0x3FAA] =	sst s0;
	s0 =	simm.s32 @!p1 $0x0  }
0x14: {  	s2 =	sld [smem:$0x3F8E];
	s0 =	simm.s32 @p1 $0x1  }
0x15: {  	[smem:$0x3FAB] =	sst s0;
	s0 =	simm.s32 @!p2 $0x0  }
0x16: {  	s3 =	sld [smem:$0x3FDB];
	s0 =	simm.s32 @p2 $0x1  }
0x17: {  	s4 =	simm.s32 $0x1BF5;
	[smem:$0x3FAD] =	sst s0  }
0x18: {  	s0 =	sld [smem:$0x3F90];
	_ =	swait.ge [sflag:s4], $0x0  }
0x19: {  	s7 =	sld [smem:$0x3F91]  }
0x1a: {  	s8 =	sadd.s32 $0xFFFFE003, lr  }
0x1b: {  	s9 =	sadd.s32 $0xFFFFFEF7, lr;
	s5 =	simm.s32 $0xFFFFFFFF;
	p2 =	slt.u32 s8, $0xFFFFF086  }
0x1c: {  	p1 =	slt.u32 s9, $0xF7A;
	s5 =	simm.s32 @!p2 $0x0  }
0x1d: {  	s5 =	simm.s32 @p1 $0x1;
	p0 =	seq.s32 s7, s2  }
0x1e: {  	s7 =	smul.u32 @!p0 $0xF7A, s2;
	p2 =	seq.s32 @!p0 s5, $0x0  }
0x1f: {  	s9 =	smul.u32 $0xF7A, s1;
	s8 =	simm.s32 @!p0 $0x1BF5;
	p2 =	por !p2, p0  }
0x20: {  	[sflag:s8] =	ssyncset.s32 @!p0 $0xFFFFF086;
	s6 =	sadd.s32 @!p0 s3, s7;
	s7 =	simm.s32 @!p0 $0x108  }
0x21: {  	s3 =	sadd.s32 s3, s9;
	s6 =	sadd.s32 @!p0 $0x88, s6;
	s7 =	simm.s32 @p2 $0x1082  }
0x22: {  	[simem:s7], [sflag:s8] =	dma.local @!p0 [hbm:s6], $0xF7A  }
0x23: {  	s9 =	sor.u32 $0xD0000000, s2;
	s6 =	simm.s32 $0x108;
	_ =	swait.ge @!p0 [sflag:s8], $0x0  }
0x24: {  	s3 =	sadd.s32 $0x88, s3;
	s6 =	simm.s32 @!p1 $0x1082;
	[sflag:s4] =	ssyncset.s32 $0xFFFFF086  }
0x25: {  	[simem:s6], [sflag:s4] =	dma.local [hbm:s3], $0xF7A  }
0x26: {  	[smem:$0x3F91] =	sst s1;
	(tag) =	ssettag s2;
	_ =	strace s9  }
0x27: {  	s1 =	sld [smem:$0x3FA1]  }
0x28: {  	s2 =	sld [smem:$0x3FA2]  }
0x29: {  	s4 =	sld [smem:$0x3FA4]  }
0x2a: {  	p0 =	seq.s32 s5, $0x0;
	s5 =	sld [smem:$0x3FA5]  }
0x2b: {  	s6 =	sld [smem:$0x3FA6]  }
0x2c: {  	s7 =	sld [smem:$0x3FA7]  }
0x2d: {  	s3 =	simm.s32 $0x108;
	s8 =	sld [smem:$0x3FA8]  }
0x2e: {  	s3 =	simm.s32 @!p0 $0x1082;
	s9 =	sld [smem:$0x3FA9]  }
0x2f: {  	lr =	sadd.s32 s0, s3;
	s0 =	sld [smem:$0x3FA0]  }
0x30: {  	s3 =	sld [smem:$0x3FA3]  }
0x31: {  	[smem:$0x3FAC] =	sst s10  }
0x32: {  	s10 =	sld [smem:$0x3FAA];
	_ =	sdelay $0x3  }
0x33: {  	p0 =	seq.s32 s10, $0x1;
	s10 =	sld [smem:$0x3FAC];
	_ =	sdelay $0x3  }
0x34: {  	[smem:$0x3FAC] =	sst s10  }
0x35: {  	s10 =	sld [smem:$0x3FAB];
	_ =	sdelay $0x3  }
0x36: {  	p1 =	seq.s32 s10, $0x1;
	s10 =	sld [smem:$0x3FAC];
	_ =	sdelay $0x3  }
0x37: {  	[smem:$0x3FAC] =	sst s10  }
0x38: {  	s10 =	sld [smem:$0x3FAD]  }
0x39: {  	_ = 	snop;
	(pc) =	sbr.ind lr, $3  }
0x3a: {  	_ = 	snop  }
0x3b: {  	_ = 	snop  }
0x3c: {  	p2 =	seq.s32 s10, $0x1;
	s10 =	sld [smem:$0x3FAC]  }
0x3d: {  	_ =	shalt  }
0x3e: {  	_ =	shalt  }
0x3f: {  	_ =	shalt  }
0x40: {  	_ =	shalt  }
0x41: {  	_ =	shalt  }
0x42: {  	_ =	shalt  }
0x43: {  	_ =	shalt  }
0x44: {  	_ =	shalt  }
0x45: {  	_ =	shalt  }
0x46: {  	_ =	shalt  }
0x47: {  	_ =	shalt  }
0x48: {  	_ =	shalt  }
0x49: {  	_ =	shalt  }
0x4a: {  	_ =	shalt  }
0x4b: {  	_ =	shalt  }
0x4c: {  	_ =	shalt  }
0x4d: {  	_ =	shalt  }
0x4e: {  	_ =	shalt  }
0x4f: {  	_ =	shalt  }
0x50: {  	_ =	shalt  }
0x51: {  	_ =	shalt  }
0x52: {  	_ =	shalt  }
0x53: {  	_ =	shalt  }
0x54: {  	_ =	shalt  }
0x55: {  	_ =	shalt  }
0x56: {  	_ =	shalt  }
0x57: {  	_ =	shalt  }
0x58: {  	_ =	shalt  }
0x59: {  	_ =	shalt  }
0x5a: {  	_ =	shalt  }
0x5b: {  	_ =	shalt  }
0x5c: {  	_ =	shalt  }
0x5d: {  	_ =	shalt  }
0x5e: {  	_ =	shalt  }
0x5f: {  	_ =	shalt  }
0x60: {  	_ =	shalt  }
0x61: {  	_ =	shalt  }
0x62: {  	_ =	shalt  }
0x63: {  	_ =	shalt  }
0x64: {  	_ =	shalt  }
0x65: {  	_ =	shalt  }
0x66: {  	_ =	shalt  }
0x67: {  	_ =	shalt  }
0x68: {  	_ =	shalt  }
0x69: {  	_ =	shalt  }
0x6a: {  	_ =	shalt  }
0x6b: {  	_ =	shalt  }
0x6c: {  	_ =	shalt  }
0x6d: {  	_ =	shalt  }
0x6e: {  	_ =	shalt  }
0x6f: {  	_ =	shalt  }
0x70: {  	_ =	shalt  }
0x71: {  	_ =	shalt  }
0x72: {  	_ =	shalt  }
0x73: {  	_ =	shalt  }
0x74: {  	_ =	shalt  }
0x75: {  	_ =	shalt  }
0x76: {  	_ =	shalt  }
0x77: {  	_ =	shalt  }
0x78: {  	_ =	shalt  }
0x79: {  	_ =	shalt  }
0x7a: {  	_ =	shalt  }
0x7b: {  	_ =	shalt  }
0x7c: {  	_ =	shalt  }
0x7d: {  	_ =	shalt  }
0x7e: {  	_ =	shalt  }
0x7f: {  	_ =	shalt  }
0x80: {  	_ =	shalt  }
0x81: {  	_ =	shalt  }
0x82: {  	_ =	shalt  }
0x83: {  	_ =	shalt  }
0x84: {  	_ =	shalt  }
0x85: {  	_ =	shalt  }
0x86: {  	_ =	shalt  }
0x87: {  	_ =	shalt  }
.Lfunc_end0:
.L_simem_size_0:
called_computation_lowered:
.L_overlay_start_0:
0x88: {  	s2 =	sld [smem:$0x3FD9]  }
0x89: {  	s3 =	sld [smem:$0x3FFE];
	_ =	sdelay $0x1  }
0x8a: {  	s1 =	srdreg.scid  }
0x8b: {  	s0 =	sand.u32 $0x1, s1  }
0x8c: {  	s17 =	sshll.u32 s0, $0xA;
	s2 =	sadd.s32 s3, s2  }
0x8d: {  	s2 =	sadd.s32 s2, s17  }
0x8e: {  	[smem:$0x3FB8] =	sst s2  }
0x8f: {  	_ = 	snop  }
0x90: {  	s2 =	sld [smem:$0x3FC9];
	(tm) =	ssettm $0x1  }
0x91: {  	s18 =	sld [smem:$0x3FFB];
	_ =	sdelay $0x3  }
0x92: {  	_ =	strace s18  }
0x93: {  	s3 =	sld [smem:$0x3FFC];
	_ =	sdelay $0x3  }
0x94: {  	_ =	strace s3  }
0x95: {  	s3 =	sld [smem:$0x3FFD];
	_ =	sdelay $0x3  }
0x96: {  	_ =	strace s3  }
0x97: {  	_ =	strace $0x8FFFFFFF  }
0x98: {  	s19 =	sld [smem:$0x3FDB];
	_ =	sdelay $0x1  }
0x99: {  	s4 =	simm.s32 $_scs_section_size  }
0x9a: {  	s5 =	simm.s32 $_size__tile_overlayer_lowered;
	s6 =	simm.s32 $_tile_overlayer_lowered  }
0x9b: {  	s22 =	simm.s32 $0x1BFF;
	s21 =	sshll.u32 s6, $0x1;
	s3 =	sadd.s32 s4, s19  }
0x9c: {  	s7 =	simm.s32 $0x0;
	s20 =	sshll.u32 s5, $0x1;
	s5 =	sadd.s32 s21, s3  }
0x9d: {  	[timem:s7], [sflag:s22] =	dma.local [hbm:s5], s20  }
0x9e: {  	_ =	swait.ge [sflag:s22], s20  }
0x9f: {  	s4 =	ssub.s32 $0x0, s20;
	[sflag:s22] =	ssyncset.done $0x0  }
0xa0: {  	[sflag:s22] =	ssyncadd.s32 s4;
	_ =	sdelay $0x1  }
0xa1: {  	s23 =	simm.s32 $0x1B8B  }
0xa2: {  	_ =	swait.ge [sflag:s23], $0x1  }
0xa3: {  	[sflag:s23] =	ssyncset.done $0x0  }
0xa4: {  	s25 =	simm.s32 $0x1B8E;
	s24 =	sld [smem:$0x3FFE];
	[sflag:s23] =	ssyncadd.s32 $0xFFFFFFFF  }
0xa5: {  	s26 =	simm.s32 $execute0_lowered;
	[smem:$0x3FD2] =	sst s25  }
0xa6: {  	s5 =	sshll.u32 s26, $0x1;
	_ =	strace $0x80000046;
	[dreg:$0x1] =	wrdreg $0xFFFFFFFF  }
0xa7: {  	s28 =	simm.s32 $_size_execute0_lowered;
	s3 =	sadd.s32 s3, s5;
	[dreg:$0x0] =	wrdreg $0x0  }
0xa8: {  	s5 =	sshll.u32 s28, $0x1;
	[dreg:$0x2] =	wrdreg s3  }
0xa9: {  	[dreg:$0x3] =	wrdreg s5  }
0xaa: {  	[dreg:$0x4] =	wrdreg $0xC0  }
0xab: {  	_ =	task [dreg:s7], $0x5FFFF  }
0xac: {  	[dreg:$0x1] =	wrdreg $0xFFFFFFFF  }
0xad: {  	[dreg:$0x0] =	wrdreg $0x60  }
0xae: {  	[dreg:$0x2] =	wrdreg s2  }
0xaf: {  	[dreg:$0x3] =	wrdreg s24  }
0xb0: {  	[dreg:$0x4] =	wrdreg $0xA8000  }
0xb1: {  	[dreg:$0x5] =	wrdreg $0x9  }
0xb2: {  	_ =	task.clear_ibuf [dreg:s7], $0x6FFFF;
	_ =	strace $0x90000046  }
0xb3: {  	s29 =	simm.s32 $0x9;
	_ =	strace $0x80000048  }
0xb4: {  	_ =	swait.ge [sflag:s29], $0x1  }
0xb5: {  	[sflag:s29] =	ssyncadd.s32 $0xFFFFFFFF  }
0xb6: {  	_ =	strace $0x90000048  }
0xb7: {  	_ =	sfence  }
0xb8: {  	s30 =	sld [smem:$0x0];
	_ =	sdelay $0x2  }
0xb9: {  	s31 =	sshll.u32 s1, $0xD;
	s1 =	sshrl.u32 s1, $0x2  }
0xba: {  	s3 =	sand.u32 $0x4000, s31;
	s1 =	sadd.s32 s1, s30  }
0xbb: {  	s0 =	sor.u32 s3, s0;
	s1 =	sshll.u32 s1, $0x11  }
0xbc: {  	s0 =	sor.u32 s1, s0  }
0xbd: {  	s0 =	sadd.s32 $0x8F2B, s0  }
0xbe: {  	[sflag:s0] =	ssyncadd.remote.s32 $0x1  }
0xbf: {  	_ =	sfence.sel $0xFFFF  }
0xc0: {  	[dreg:$0x0] =	wrdreg $0xFFFFFFFF;
	(pc) =	sbr.abs _section_cstart, $3  }
0xc1: {  	[dreg:$0x1] =	wrdreg $0xFFFFFFFF  }
0xc2: {  	_ =	task.clear_ibuf [dreg:s7], $0x2FFFF;
	_ =	strace $0x9FFFFFFF  }
0xc3: {  	(tm) =	ssettm $0x7FFFFFFF  }
tec
execute0_lowered:
.L_overlay_start_1:
0x0: {  	(tag) =	ssettag $0x1  }
0x1: {  	s1 =	rddreg [dreg:$0x0]  }
0x2: {  	s0 =	rddreg [dreg:$0x1]  }
0x3: {  	s2 =	rddreg [dreg:$0x2]  }
0x4: {  	s3 =	simm.s32 $0x0;
	s4 =	srdreg.scid;
	s11 =	stileid.u32  }
0x5: {  	s28 =	simm.s32 $0x80;
	s29 =	simm.s32 $0x1;
	s30 =	simm.s32 $0x6800  }
0x6: {  	s31 =	simm.s32 $0x2;
	[smem:$0x7FF] =	sst s3;
	s4 =	sand.u32 $0x1, s4  }
0x7: {  	s6 =	sadd.s32 $0x2C00, s0;
	s8 =	sadd.s32 $0xCC00, s0;
	s14 =	smul.u32 $0x14000, s11  }
0x8: {  	s0 =	sadd.s32 $0x16C00, s0;
	s10 =	smul.u32 $0x50000, s11;
	_ =	strace $0x80000047  }
0x9: {  	s7 =	smul.u32 $0x140000, s4;
	s5 =	ssub.s32 $0x2, s4;
	s4 =	sshll.u32 s4, $0x4  }
0xa: {  	s9 =	sshrl.u32 s5, $0x1;
	s4 =	sor.u32 s11, s4;
	s10 =	sshrl.u32 s10, $0x2  }
0xb: {  	s13 =	sadd.s32 $0x4000, s14;
	s15 =	sadd.s32 $0x8000, s14;
	s17 =	sadd.s32 $0xC000, s14  }
0xc: {  	s9 =	ssub.s32 s5, s9;
	s18 =	sadd.s32 s7, s14;
	s5 =	sadd.s32 s10, s2  }
0xd: {  	s4 =	smul.u32 $0x2800, s4;
	s12 =	sadd.s32 s7, s13;
	s16 =	sadd.s32 s7, s15  }
0xe: {  	s24 =	sadd.s32 s7, s17;
	s19 =	sshrl.u32 s18, $0x3;
	s9 =	smax.u32 s9, $0x1  }
0xf: {  	s21 =	sadd.s32 $0x4000, s5;
	s22 =	sadd.s32 $0x8000, s5;
	s10 =	sadd.s32 $0xC000, s5  }
0x10: {  	s11 =	sadd.s32 $0x10000, s5;
	s12 =	sshrl.u32 s12, $0x3;
	s23 =	sshrl.u32 s16, $0x3  }
0x11: {  	s16 =	sshrl.u32 s24, $0x3;
	s18 =	sadd.s32 $0x10000, s14;
	[dreg:$0x5] =	wrdreg s9  }
0x12: {  	s24 =	sadd.s32 s17, s2;
	s20 =	sadd.s32 s0, s19;
	[dreg:$0x6] =	wrdreg s21  }
0x13: {  	[dreg:$0x7] =	wrdreg s22;
	s12 =	sadd.s32 s0, s12;
	s22 =	sadd.s32 s13, s2  }
0x14: {  	s13 =	sadd.s32 s0, s23;
	s23 =	sadd.s32 s15, s2;
	s14 =	sadd.s32 s0, s16  }
0x15: {  	s7 =	sadd.s32 s7, s18;
	s4 =	sshrl.u32 s4, $0x3;
	s25 =	sadd.s32 s18, s2  }
0x16: {  	s21 =	simm.s32 $0x3;
	s24 =	sshrl.u32 s24, $0x3;
	[dreg:$0x4] =	wrdreg s20  }
0x17: {  	s7 =	sshrl.u32 s7, $0x3;
	s26 =	sadd.s32 $0x280, s4;
	s16 =	sadd.s32 s6, s4  }
0x18: {  	s17 =	sadd.s32 s8, s4;
	s20 =	simm.s32 $0x2800;
	s22 =	sshrl.u32 s22, $0x3  }
0x19: {  	s23 =	sshrl.u32 s23, $0x3;
	s25 =	sshrl.u32 s25, $0x3;
	s4 =	simm.s32 $0x2700  }
0x1a: {  	s15 =	sadd.s32 s0, s7;
	s18 =	sadd.s32 s6, s26;
	s19 =	sadd.s32 s8, s26  }
0x1b: {  	v0 =	vimm.f32 $0.0e+00;
	s26 =	simm.s32 $0x1400;
	s0 =	simm.s32 $0x1380;
	s6 =	simm.s32 $0x2780  }
.LBB2_1:
0x1c: {  	s7 =	simm.s32 $0x0;
	s8 =	simm.s32 $0x200  }
.LBB2_2:
0x1d: {  	p0 =	sne.s32 s8, $0xFE00;
	[tilespmem:s7+$0x2870] =	vst v0  }
0x1e: {  	[tilespmem:s7+$0x2800] =	vst v0  }
0x1f: {  	[tilespmem:s7+$0x2810] =	vst v0  }
.Ltmp0:
0x20: {  	[tilespmem:s7+$0x2820] =	vst v0;
	(pc) =	sbr.rel @p0 .LBB2_2-.Ltmp0, $4  }
0x21: {  	[tilespmem:s7+$0x2830] =	vst v0  }
0x22: {  	[tilespmem:s7+$0x2840] =	vst v0  }
0x23: {  	[tilespmem:s7+$0x2850] =	vst v0  }
0x24: {  	[tilespmem:s7+$0x2860] =	vst v0;
	s7 =	sshra.s32 s8, $0x2;
	s8 =	sadd.s32 $0x200, s8  }
0x25: {  	[tilespmem:s7+$0x2870] =	vst v0  }
0x26: {  	[tilespmem:s7+$0x2800] =	vst v0  }
0x27: {  	[tilespmem:s7+$0x2810] =	vst v0  }
0x28: {  	[tilespmem:s7+$0x2820] =	vst v0  }
0x29: {  	[tilespmem:s7+$0x2830] =	vst v0  }
0x2a: {  	[tilespmem:s7+$0x2840] =	vst v0  }
0x2b: {  	[tilespmem:s7+$0x2850] =	vst v0  }
0x2c: {  	[tilespmem:s7+$0x2860] =	vst v0  }
0x2d: {  	[spmem:s5] =	stream.linear.scatter [tilespmem:s20], [sflag:$0x3], $0x4000, $0x38;
	[tilespmem:$0x1E800] =	vst v63  }
0x2e: {  	_ =	swait.ge [sflag:s21], $0x4000  }
0x2f: {  	[sflag:s21] =	ssyncset.done $0x0  }
0x30: {  	s9 =	rddreg [dreg:$0x6];
	[sflag:s21] =	ssyncadd.s32 $0xFFFFC000  }
0x31: {  	[spmem:s9] =	stream.linear.scatter [tilespmem:s20], [sflag:$0x3], $0x4000, $0x38;
	[tilespmem:$0x1E800] =	vst v63  }
0x32: {  	_ =	swait.ge [sflag:s21], $0x4000  }
0x33: {  	[sflag:s21] =	ssyncset.done $0x0  }
0x34: {  	s8 =	rddreg [dreg:$0x7];
	[sflag:s21] =	ssyncadd.s32 $0xFFFFC000  }
0x35: {  	[spmem:s8] =	stream.linear.scatter [tilespmem:s20], [sflag:$0x3], $0x4000, $0x38;
	[tilespmem:$0x1E800] =	vst v63  }
0x36: {  	_ =	swait.ge [sflag:s21], $0x4000  }
0x37: {  	[sflag:s21] =	ssyncset.done $0x0  }
0x38: {  	[sflag:s21] =	ssyncadd.s32 $0xFFFFC000  }
0x39: {  	[spmem:s10] =	stream.linear.scatter [tilespmem:s20], [sflag:$0x3], $0x4000, $0x38;
	[tilespmem:$0x1E800] =	vst v63  }
0x3a: {  	_ =	swait.ge [sflag:s21], $0x4000  }
0x3b: {  	[sflag:s21] =	ssyncset.done $0x0  }
0x3c: {  	[sflag:s21] =	ssyncadd.s32 $0xFFFFC000  }
0x3d: {  	[spmem:s11] =	stream.linear.scatter [tilespmem:s20], [sflag:$0x3], $0x4000, $0x38;
	[tilespmem:$0x1E800] =	vst v63  }
0x3e: {  	_ =	swait.ge [sflag:s21], $0x4000  }
0x3f: {  	[sflag:s21] =	ssyncset.done $0x0  }
0x40: {  	[sflag:s21] =	ssyncadd.s32 $0xFFFFC000  }
0x41: {  	s9 =	simm.s32 $0x0;
	[bflag:$0x0] =	sbarrier.arrive $0xFFFF  }
0x42: {  	[tilespmem:s9], [sflag:$0x3] =	stream.linear.gather [hbm4b:s16+s9], $0x1400, $0x38;
	[tilespmem:$0x1E800] =	vst v63  }
0x43: {  	_ =	swait.ge [sflag:s21], $0x1400  }
0x44: {  	[sflag:s21] =	ssyncset.done $0x0  }
0x45: {  	[sflag:s21] =	ssyncadd.s32 $0xFFFFEC00  }
0x46: {  	[tilespmem:s26], [sflag:$0x3] =	stream.linear.gather [hbm4b:s17+s9], $0x1400, $0x38;
	[tilespmem:$0x1E800] =	vst v63  }
0x47: {  	_ =	swait.ge [sflag:s21], $0x1400  }
0x48: {  	[sflag:s21] =	ssyncset.done $0x0  }
0x49: {  	[sflag:s21] =	ssyncadd.s32 $0xFFFFEC00  }
0x4a: {  	[tilespmem:s20], [sflag:$0x1] =	stream.indirect.gather [hbm4b:s1+s28], $0x80, s9, s28, $0xb8;
	[tilespmem:$0x1E800] =	vst v63  }
0x4b: {  	_ =	swait.ge [sflag:s29], $0x4000  }
0x4c: {  	[sflag:s29] =	ssyncset.done $0x0  }
0x4d: {  	s8 =	simm.s32 $0x80;
	[sflag:s29] =	ssyncadd.s32 $0xFFFFC000  }
0x4e: {  	[tilespmem:s30], [sflag:$0x2] =	stream.indirect.gather [hbm4b:s1+s28], $0x80, s8, s28, $0xb8;
	[tilespmem:$0x1E800] =	vst v63  }
0x4f: {  	s9 =	simm.s32 $0x1400  }
0x50: {  	[spmem:s2] =	stream.indirect.scatter.add.f32 [tilespmem:s20], [sflag:$0x3], $0x80, s9, s28, $0xb8;
	[tilespmem:$0x1E800] =	vst v63  }
0x51: {  	_ =	swait.ge [sflag:s21], $0x4000  }
0x52: {  	[sflag:s21] =	ssyncset.done $0x0  }
0x53: {  	[sflag:s21] =	ssyncadd.s32 $0xFFFFC000  }
0x54: {  	_ =	swait.ge [sflag:s31], $0x4000  }
0x55: {  	[sflag:s31] =	ssyncset.done $0x0  }
0x56: {  	s8 =	simm.s32 $0x100;
	[sflag:s31] =	ssyncadd.s32 $0xFFFFC000  }
0x57: {  	[tilespmem:s20], [sflag:$0x1] =	stream.indirect.gather [hbm4b:s1+s28], $0x80, s8, s28, $0xb8;
	[tilespmem:$0x1E800] =	vst v63  }
0x58: {  	s9 =	simm.s32 $0x1480  }
0x59: {  	[spmem:s2] =	stream.indirect.scatter.add.f32 [tilespmem:s30], [sflag:$0x3], $0x80, s9, s28, $0xb8;
	[tilespmem:$0x1E800] =	vst v63  }
0x5a: {  	_ =	swait.ge [sflag:s21], $0x4000  }
0x5b: {  	s7 =	simm.s32 $0x400;
	[sflag:s21] =	ssyncset.done $0x0  }
.LBB2_4:
0x5c: {  	p0 =	sne.s32 s7, $0x4800  }
0x5d: {  	[sflag:s21] =	ssyncadd.s32 $0xFFFFC000;
	s8 =	smov.u32 s7;
	s7 =	sadd.s32 $0x400, s7  }
0x5e: {  	_ = 	snop  }
0x5f: {  	_ =	swait.ge [sflag:s29], $0x4000  }
0x60: {  	s8 =	sshra.s32 s8, $0x2;
	[sflag:s29] =	ssyncset.done $0x0  }
0x61: {  	s9 =	sadd.s32 $0x80, s8;
	[sflag:s29] =	ssyncadd.s32 $0xFFFFC000  }
0x62: {  	[tilespmem:s30], [sflag:$0x2] =	stream.indirect.gather [hbm4b:s1+s28], $0x80, s9, s28, $0xb8;
	[tilespmem:$0x1E800] =	vst v63  }
0x63: {  	s9 =	sadd.s32 $0x1400, s8  }
0x64: {  	[spmem:s2] =	stream.indirect.scatter.add.f32 [tilespmem:s20], [sflag:$0x3], $0x80, s9, s28, $0xb8;
	[tilespmem:$0x1E800] =	vst v63  }
0x65: {  	_ =	swait.ge [sflag:s21], $0x4000  }
0x66: {  	[sflag:s21] =	ssyncset.done $0x0  }
0x67: {  	[sflag:s21] =	ssyncadd.s32 $0xFFFFC000  }
0x68: {  	_ =	swait.ge [sflag:s31], $0x4000  }
0x69: {  	[sflag:s31] =	ssyncset.done $0x0  }
0x6a: {  	s9 =	sadd.s32 $0x100, s8;
	[sflag:s31] =	ssyncadd.s32 $0xFFFFC000  }
0x6b: {  	[tilespmem:s20], [sflag:$0x1] =	stream.indirect.gather [hbm4b:s1+s28], $0x80, s9, s28, $0xb8;
	[tilespmem:$0x1E800] =	vst v63  }
.Ltmp1:
0x6c: {  	_ = 	snop;
	(pc) =	sbr.rel @p0 .LBB2_4-.Ltmp1, $4  }
0x6d: {  	s8 =	sadd.s32 $0x1480, s8  }
0x6e: {  	[spmem:s2] =	stream.indirect.scatter.add.f32 [tilespmem:s30], [sflag:$0x3], $0x80, s8, s28, $0xb8;
	[tilespmem:$0x1E800] =	vst v63  }
0x6f: {  	_ =	swait.ge [sflag:s21], $0x4000  }
0x70: {  	[sflag:s21] =	ssyncset.done $0x0  }
0x71: {  	[sflag:s21] =	ssyncadd.s32 $0xFFFFC000  }
0x72: {  	_ =	swait.ge [sflag:s29], $0x4000  }
0x73: {  	[sflag:s29] =	ssyncset.done $0x0  }
0x74: {  	[sflag:s29] =	ssyncadd.s32 $0xFFFFC000  }
0x75: {  	[tilespmem:s30], [sflag:$0x2] =	stream.indirect.gather [hbm4b:s1+s28], $0x80, s0, s28, $0xb8;
	[tilespmem:$0x1E800] =	vst v63  }
0x76: {  	_ = 	snop  }
0x77: {  	[spmem:s2] =	stream.indirect.scatter.add.f32 [tilespmem:s20], [sflag:$0x3], $0x80, s4, s28, $0xb8;
	[tilespmem:$0x1E800] =	vst v63  }
0x78: {  	_ =	swait.ge [sflag:s21], $0x4000  }
0x79: {  	[sflag:s21] =	ssyncset.done $0x0  }
0x7a: {  	[sflag:s21] =	ssyncadd.s32 $0xFFFFC000  }
0x7b: {  	_ =	swait.ge [sflag:s31], $0x4000  }
0x7c: {  	[sflag:s31] =	ssyncset.done $0x0  }
0x7d: {  	[sflag:s31] =	ssyncadd.s32 $0xFFFFC000  }
0x7e: {  	[spmem:s2] =	stream.indirect.scatter.add.f32 [tilespmem:s30], [sflag:$0x3], $0x80, s6, s28, $0xb8;
	[tilespmem:$0x1E800] =	vst v63  }
0x7f: {  	_ =	swait.ge [sflag:s21], $0x4000  }
0x80: {  	[sflag:s21] =	ssyncset.done $0x0  }
0x81: {  	s7 =	simm.s32 $0x0;
	[sflag:s21] =	ssyncadd.s32 $0xFFFFC000  }
0x82: {  	[tilespmem:s7], [sflag:$0x3] =	stream.linear.gather [hbm4b:s18+s7], $0x1400, $0x38;
	[tilespmem:$0x1E800] =	vst v63  }
0x83: {  	_ =	swait.ge [sflag:s21], $0x1400  }
0x84: {  	[sflag:s21] =	ssyncset.done $0x0  }
0x85: {  	[sflag:s21] =	ssyncadd.s32 $0xFFFFEC00  }
0x86: {  	[tilespmem:s26], [sflag:$0x3] =	stream.linear.gather [hbm4b:s19+s7], $0x1400, $0x38;
	[tilespmem:$0x1E800] =	vst v63  }
0x87: {  	_ =	swait.ge [sflag:s21], $0x1400  }
0x88: {  	[sflag:s21] =	ssyncset.done $0x0  }
0x89: {  	[sflag:s21] =	ssyncadd.s32 $0xFFFFEC00  }
0x8a: {  	[tilespmem:s20], [sflag:$0x1] =	stream.indirect.gather [hbm4b:s1+s28], $0x80, s7, s28, $0xb8;
	[tilespmem:$0x1E800] =	vst v63  }
0x8b: {  	_ =	swait.ge [sflag:s29], $0x4000  }
0x8c: {  	[sflag:s29] =	ssyncset.done $0x0  }
0x8d: {  	s8 =	simm.s32 $0x80;
	[sflag:s29] =	ssyncadd.s32 $0xFFFFC000  }
0x8e: {  	[tilespmem:s30], [sflag:$0x2] =	stream.indirect.gather [hbm4b:s1+s28], $0x80, s8, s28, $0xb8;
	[tilespmem:$0x1E800] =	vst v63  }
0x8f: {  	s9 =	simm.s32 $0x1400  }
0x90: {  	[spmem:s2] =	stream.indirect.scatter.add.f32 [tilespmem:s20], [sflag:$0x3], $0x80, s9, s28, $0xb8;
	[tilespmem:$0x1E800] =	vst v63  }
0x91: {  	_ =	swait.ge [sflag:s21], $0x4000  }
0x92: {  	[sflag:s21] =	ssyncset.done $0x0  }
0x93: {  	[sflag:s21] =	ssyncadd.s32 $0xFFFFC000  }
0x94: {  	_ =	swait.ge [sflag:s31], $0x4000  }
0x95: {  	[sflag:s31] =	ssyncset.done $0x0  }
0x96: {  	s8 =	simm.s32 $0x100;
	[sflag:s31] =	ssyncadd.s32 $0xFFFFC000  }
0x97: {  	[tilespmem:s20], [sflag:$0x1] =	stream.indirect.gather [hbm4b:s1+s28], $0x80, s8, s28, $0xb8;
	[tilespmem:$0x1E800] =	vst v63  }
0x98: {  	s9 =	simm.s32 $0x1480  }
0x99: {  	[spmem:s2] =	stream.indirect.scatter.add.f32 [tilespmem:s30], [sflag:$0x3], $0x80, s9, s28, $0xb8;
	[tilespmem:$0x1E800] =	vst v63  }
0x9a: {  	_ =	swait.ge [sflag:s21], $0x4000  }
0x9b: {  	s7 =	simm.s32 $0x400;
	[sflag:s21] =	ssyncset.done $0x0  }
.LBB2_6:
0x9c: {  	p0 =	sne.s32 s7, $0x4800  }
0x9d: {  	[sflag:s21] =	ssyncadd.s32 $0xFFFFC000;
	s8 =	smov.u32 s7;
	s7 =	sadd.s32 $0x400, s7  }
0x9e: {  	_ = 	snop  }
0x9f: {  	_ =	swait.ge [sflag:s29], $0x4000  }
0xa0: {  	s8 =	sshra.s32 s8, $0x2;
	[sflag:s29] =	ssyncset.done $0x0  }
0xa1: {  	s9 =	sadd.s32 $0x80, s8;
	[sflag:s29] =	ssyncadd.s32 $0xFFFFC000  }
0xa2: {  	[tilespmem:s30], [sflag:$0x2] =	stream.indirect.gather [hbm4b:s1+s28], $0x80, s9, s28, $0xb8;
	[tilespmem:$0x1E800] =	vst v63  }
0xa3: {  	s9 =	sadd.s32 $0x1400, s8  }
0xa4: {  	[spmem:s2] =	stream.indirect.scatter.add.f32 [tilespmem:s20], [sflag:$0x3], $0x80, s9, s28, $0xb8;
	[tilespmem:$0x1E800] =	vst v63  }
0xa5: {  	_ =	swait.ge [sflag:s21], $0x4000  }
0xa6: {  	[sflag:s21] =	ssyncset.done $0x0  }
0xa7: {  	[sflag:s21] =	ssyncadd.s32 $0xFFFFC000  }
0xa8: {  	_ =	swait.ge [sflag:s31], $0x4000  }
0xa9: {  	[sflag:s31] =	ssyncset.done $0x0  }
0xaa: {  	s9 =	sadd.s32 $0x100, s8;
	[sflag:s31] =	ssyncadd.s32 $0xFFFFC000  }
0xab: {  	[tilespmem:s20], [sflag:$0x1] =	stream.indirect.gather [hbm4b:s1+s28], $0x80, s9, s28, $0xb8;
	[tilespmem:$0x1E800] =	vst v63  }
.Ltmp2:
0xac: {  	_ = 	snop;
	(pc) =	sbr.rel @p0 .LBB2_6-.Ltmp2, $4  }
0xad: {  	s8 =	sadd.s32 $0x1480, s8  }
0xae: {  	[spmem:s2] =	stream.indirect.scatter.add.f32 [tilespmem:s30], [sflag:$0x3], $0x80, s8, s28, $0xb8;
	[tilespmem:$0x1E800] =	vst v63  }
0xaf: {  	_ =	swait.ge [sflag:s21], $0x4000  }
0xb0: {  	[sflag:s21] =	ssyncset.done $0x0  }
0xb1: {  	[sflag:s21] =	ssyncadd.s32 $0xFFFFC000  }
0xb2: {  	_ =	swait.ge [sflag:s29], $0x4000  }
0xb3: {  	[sflag:s29] =	ssyncset.done $0x0  }
0xb4: {  	[sflag:s29] =	ssyncadd.s32 $0xFFFFC000  }
0xb5: {  	[tilespmem:s30], [sflag:$0x2] =	stream.indirect.gather [hbm4b:s1+s28], $0x80, s0, s28, $0xb8;
	[tilespmem:$0x1E800] =	vst v63  }
0xb6: {  	_ = 	snop  }
0xb7: {  	[spmem:s2] =	stream.indirect.scatter.add.f32 [tilespmem:s20], [sflag:$0x3], $0x80, s4, s28, $0xb8;
	[tilespmem:$0x1E800] =	vst v63  }
0xb8: {  	_ =	swait.ge [sflag:s21], $0x4000  }
0xb9: {  	[sflag:s21] =	ssyncset.done $0x0  }
0xba: {  	[sflag:s21] =	ssyncadd.s32 $0xFFFFC000  }
0xbb: {  	_ =	swait.ge [sflag:s31], $0x4000  }
0xbc: {  	[sflag:s31] =	ssyncset.done $0x0  }
0xbd: {  	[sflag:s31] =	ssyncadd.s32 $0xFFFFC000  }
0xbe: {  	[spmem:s2] =	stream.indirect.scatter.add.f32 [tilespmem:s30], [sflag:$0x3], $0x80, s6, s28, $0xb8;
	[tilespmem:$0x1E800] =	vst v63  }
0xbf: {  	_ =	swait.ge [sflag:s21], $0x4000  }
0xc0: {  	[sflag:s21] =	ssyncset.done $0x0  }
0xc1: {  	s7 =	stileid.u32;
	[sflag:s21] =	ssyncadd.s32 $0xFFFFC000  }
0xc2: {  	s7 =	sshll.u32 s7, $0x6;
	[bflag:$0x0] =	sbarrier.arrive $0xFFFF  }
0xc3: {  	s8 =	sshrl.u32 s5, $0x3;
	s7 =	sor.u32 $0x1C03, s7;
	s9 =	rddreg [dreg:$0x4]  }
0xc4: {  	[hbm:s9], [sflag:s7] =	dma.local [spmem:s8], $0x800  }
0xc5: {  	_ =	swait.ge [sflag:s21], $0x800  }
0xc6: {  	[sflag:s21] =	ssyncset.done $0x0  }
0xc7: {  	[sflag:s21] =	ssyncadd.s32 $0xFFFFF800  }
0xc8: {  	[hbm:s12], [sflag:s7] =	dma.local [spmem:s22], $0x800  }
0xc9: {  	_ =	swait.ge [sflag:s21], $0x800  }
0xca: {  	[sflag:s21] =	ssyncset.done $0x0  }
0xcb: {  	[sflag:s21] =	ssyncadd.s32 $0xFFFFF800  }
0xcc: {  	[hbm:s13], [sflag:s7] =	dma.local [spmem:s23], $0x800  }
0xcd: {  	_ =	swait.ge [sflag:s21], $0x800  }
0xce: {  	[sflag:s21] =	ssyncset.done $0x0  }
0xcf: {  	[sflag:s21] =	ssyncadd.s32 $0xFFFFF800  }
0xd0: {  	[hbm:s14], [sflag:s7] =	dma.local [spmem:s24], $0x800  }
0xd1: {  	_ =	swait.ge [sflag:s21], $0x800  }
0xd2: {  	[sflag:s21] =	ssyncset.done $0x0  }
0xd3: {  	[sflag:s21] =	ssyncadd.s32 $0xFFFFF800  }
0xd4: {  	[hbm:s15], [sflag:s7] =	dma.local [spmem:s25], $0x800  }
0xd5: {  	_ =	swait.ge [sflag:s21], $0x800  }
0xd6: {  	s3 =	sadd.s32 $0x1, s3;
	s9 =	rddreg [dreg:$0x5]  }
0xd7: {  	p0 =	sne.s32 s3, s9  }
.Ltmp3:
0xd8: {  	_ = 	snop;
	(pc) =	sbr.rel @p0 .LBB2_1-.Ltmp3, $3  }
0xd9: {  	_ =	sdelay $0x1  }
0xda: {  	[sflag:s21] =	ssyncset.done $0x0  }
0xdb: {  	[sflag:s21] =	ssyncadd.s32 $0xFFFFF800  }
0xdc: {  	_ =	sfence.sel $0x180000  }
0xdd: {  	[bflag:$0x0] =	sbarrier.arrive $0xFFFF  }
0xde: {  	_ =	strace $0x90000047  }
0xdf: {  	s0 =	stileid.u32;
	[bflag:$0x2] =	sbarrier.arrive $0xFFFF  }
0xe0: {  	p0 =	sne.s32 s0, $0x0;
	s0 =	rddreg [dreg:$0x3]  }
0xe1: {  	s0 =	sadd.s32 @!p0 $0x100000, s0  }
0xe2: {  	[sflag:s0] =	ssyncadd.tile.s32 @!p0 $0x1;
	_ =	shalt  }
.Lfunc_end2:
_tile_overlayer_lowered:
.L_overlay_start_2:
0xe3: {  	(tag) =	ssettag $0x2  }
0xe4: {  	s0 =	rddreg [dreg:$0x0];
	s2 =	stileid.u32  }
0xe5: {  	s1 =	rddreg [dreg:$0x1];
	p0 =	sne.s32 s2, $0x0  }
0xe6: {  	s3 =	rddreg [dreg:$0x2];
	[bflag:$0x3] =	sbarrier.arrive $0xFFFF;
	s2 =	simm.s32 @!p0 $0x1C03  }
0xe7: {  	[timem:s3], [sflag:s2] =	dma.local @!p0 [hbm:s0], s1  }
0xe8: {  	s0 =	simm.s32 @!p0 $0x3  }
0xe9: {  	_ =	swait.ge @!p0 [sflag:s0], s1  }
0xea: {  	s1 =	ssub.s32 @!p0 $0x0, s1;
	[sflag:s0] =	ssyncset.done @!p0 $0x0  }
0xeb: {  	[sflag:s0] =	ssyncadd.s32 @!p0 s1  }
0xec: {  	[bflag:$0x3] =	sbarrier.arrive $0xFFFF  }
0xed: {  	_ =	shalt  }

</sc_bundles>
